<compile_context>
chip_gen: v7x
topology: tpu7x:2x2x1
jax: 0.10.2.dev20260603
libtpu: 0.0.44.dev20260713+nightly
codegen_flags: <defaults>
</compile_context>

<pallas_src>
import functools

import jax
import jax.numpy as jnp
from jax import lax
from jax.experimental import pallas as pl
from jax.experimental.pallas import tpu as pltpu
from jax.experimental.pallas import tpu_sc as plsc

D_MODEL = 768
NUM_REL = 6
LANES = 16


@functools.cache
def _build_sc_kernel(T: int, C: int):
    info = plsc.get_sparse_core_info()
    nw = info.num_cores * info.num_subcores
    tpw = T // nw
    n_chunks = tpw // C
    assert n_chunks % 2 == 0 and n_chunks >= 4
    R = NUM_REL
    D = D_MODEL

    mesh = plsc.VectorSubcoreMesh(core_axis_name="c", subcore_axis_name="s")

    @functools.partial(
        pl.kernel,
        out_type=jax.ShapeDtypeStruct((T * R, D), jnp.float32),
        mesh=mesh,
        scratch_types=[
            pltpu.VMEM((R, D), jnp.float32),
            pltpu.VMEM((C, D), jnp.float32),
            pltpu.VMEM((C, D), jnp.float32),
            pltpu.VMEM((C * R, D), jnp.float32),
            pltpu.VMEM((C * R, D), jnp.float32),
            pltpu.SemaphoreType.DMA,
            pltpu.SemaphoreType.DMA,
            pltpu.SemaphoreType.DMA,
            pltpu.SemaphoreType.DMA,
        ],
    )
    def sc_kernel(tok_hbm, rel_hbm, out_hbm, rel_v,
                  in_v0, in_v1, out_v0, out_v1,
                  in_s0, in_s1, out_s0, out_s1):
        wid = lax.axis_index("s") * info.num_cores + lax.axis_index("c")
        base = wid * tpw
        in_bufs, out_bufs = (in_v0, in_v1), (out_v0, out_v1)
        in_sems, out_sems = (in_s0, in_s1), (out_s0, out_s1)

        def tok_slice(g):
            return tok_hbm.at[pl.ds(base + g * C, C)]

        def out_slice(g):
            return out_hbm.at[pl.ds((base + g * C) * R, C * R)]

        pltpu.async_copy(tok_slice(0), in_v0, in_s0)
        pltpu.async_copy(tok_slice(1), in_v1, in_s1)
        pltpu.sync_copy(rel_hbm, rel_v)

        def compute(in_v, out_v):
            def j_body(j, _):
                col = pl.multiple_of(j * LANES, LANES)
                rel_regs = [rel_v[r, pl.ds(col, LANES)] for r in range(R)]

                def c_body(c, _):
                    t = in_v[c, pl.ds(col, LANES)]
                    for r in range(R):
                        out_v[c * R + r, pl.ds(col, LANES)] = t + rel_regs[r]
                    return 0

                lax.fori_loop(0, C, c_body, 0, unroll=2)
                return 0

            lax.fori_loop(0, D // LANES, j_body, 0)

        def pair_body(i, _):
            for b in range(2):
                g = i * 2 + b
                in_v, out_v = in_bufs[b], out_bufs[b]
                in_s, out_s = in_sems[b], out_sems[b]
                pltpu.make_async_copy(tok_slice(g), in_v, in_s).wait()

                @pl.when(i > 0)
                def _():
                    pltpu.make_async_copy(out_v, out_slice(g - 2), out_s).wait()

                compute(in_v, out_v)
                pltpu.async_copy(out_v, out_slice(g), out_s)

                @pl.when(g + 2 < n_chunks)
                def _():
                    pltpu.async_copy(tok_slice(g + 2), in_v, in_s)
            return 0

        lax.fori_loop(0, n_chunks // 2, pair_body, 0)
        pltpu.make_async_copy(out_v0, out_slice(n_chunks - 2), out_s0).wait()
        pltpu.make_async_copy(out_v1, out_slice(n_chunks - 1), out_s1).wait()

    return sc_kernel


def kernel(token_embeddings, rel_emb):
    B, N, d = token_embeddings.shape
    tok = token_embeddings.reshape(B * N, d)
    out = _build_sc_kernel(B * N, 8)(tok, rel_emb)
    return out.reshape(B, N * NUM_REL, d)

# --- scband reference (transcript-rebuilt; emitter-appended) ---
"""Pipeline reference for scband-relationship-tensor-module-71322226917573 (READ-ONLY COPY).

The authoritative reference and input builder live on the scoring server;
editing this copy changes nothing except your own understanding.
"""

import jax, jax.numpy as jnp
import numpy as np

D_MODEL = 768
NUM_RELATIONS = 6

def setup_inputs(seed: int = 0) -> dict:
    key = jax.random.key(seed)
    k1, k2 = jax.random.split(key)
    token_embeddings = jax.random.normal(k1, (4, 2048, D_MODEL), dtype=jnp.float32)
    # learned parameter: relation embedding table, init std=0.02
    rel_emb = jax.random.normal(k2, (NUM_RELATIONS, D_MODEL), dtype=jnp.float32) * 0.02
    return {"token_embeddings": token_embeddings, "rel_emb": rel_emb}

def reference(token_embeddings, rel_emb):
    # build_action_embeddings: action_emb[b, n, r, :] = token_emb[b, n, :] + rel_emb[r, :]
    B, N, d = token_embeddings.shape
    R = rel_emb.shape[0]
    action_emb = token_embeddings[:, :, None, :] + rel_emb[None, None, :, :]
    action_emb = action_emb.reshape(B, N * R, d)
    return action_emb

if __name__ == "__main__":
    import jax
    _d = setup_inputs()
    print(jax.jit(kernel)(*tuple(_d.values())))

</pallas_src>

<mosaic_0001>
#map = affine_map<(d0, d1) -> (0, 0)>
module attributes {stable_mosaic.version = 14 : i64} {
  func.func @sc_kernel(%arg0: i32, %arg1: i32, %arg2: memref<8192x768xf32, #tpu.memory_space<hbm>>, %arg3: memref<6x768xf32, #tpu.memory_space<hbm>>, %arg4: memref<49152x768xf32, #tpu.memory_space<hbm>>, %arg5: memref<6x768xf32, #tpu.memory_space<vmem>>, %arg6: memref<8x768xf32, #tpu.memory_space<vmem>>, %arg7: memref<8x768xf32, #tpu.memory_space<vmem>>, %arg8: memref<48x768xf32, #tpu.memory_space<vmem>>, %arg9: memref<48x768xf32, #tpu.memory_space<vmem>>, %arg10: memref<!tpu.dma_semaphore, #tpu.memory_space<semaphore_mem>>, %arg11: memref<!tpu.dma_semaphore, #tpu.memory_space<semaphore_mem>>, %arg12: memref<!tpu.dma_semaphore, #tpu.memory_space<semaphore_mem>>, %arg13: memref<!tpu.dma_semaphore, #tpu.memory_space<semaphore_mem>>) attributes {dimension_semantics = [#tpu.dimension_semantics<core_parallel>, #tpu.dimension_semantics<subcore_parallel>], iteration_bounds = array<i64: 2, 16>, scalar_prefetch = 0 : i64, scratch_operands = 9 : i64, tpu.core_type = #tpu.core_type<sc_vector_subcore>, window_params = [{transform_indices = #map}, {transform_indices = #map}, {transform_indices = #map}]} {
    %mul3A = arith.constant 2 : i32
    %mul3A_0 = arith.muli %arg1, %mul3A : i32
    %add3A = arith.addi %mul3A_0, %arg0 : i32
    %mul3A_1 = arith.constant 256 : i32
    %mul3A_2 = arith.muli %add3A, %mul3A_1 : i32
    %add3A_3 = arith.constant 0 : i32
    %add3A_4 = arith.addi %mul3A_2, %add3A_3 : i32
    %dma_start3A = arith.constant 0 : i32
    %dma_start3A_5 = tpu.memref_slice %arg2[%add3A_4, %dma_start3A] : memref<8192x768xf32, #tpu.memory_space<hbm>> -> memref<8x768xf32, #tpu.memory_space<hbm>>
    %dma_start3A_6 = arith.constant 0 : i32
    %dma_start3A_7 = tpu.memref_slice %arg2[%add3A_4, %dma_start3A_6] : memref<8192x768xf32, #tpu.memory_space<hbm>> -> memref<8x768xf32, #tpu.memory_space<hbm>>
    tpu.enqueue_dma source(%dma_start3A_7 : memref<8x768xf32, #tpu.memory_space<hbm>>) target(%arg6 : memref<8x768xf32, #tpu.memory_space<vmem>>) target_semaphore(%arg10 : memref<!tpu.dma_semaphore, #tpu.memory_space<semaphore_mem>>)
    %add3A_8 = arith.constant 8 : i32
    %add3A_9 = arith.addi %mul3A_2, %add3A_8 : i32
    %dma_start3A_10 = arith.constant 0 : i32
    %dma_start3A_11 = tpu.memref_slice %arg2[%add3A_9, %dma_start3A_10] : memref<8192x768xf32, #tpu.memory_space<hbm>> -> memref<8x768xf32, #tpu.memory_space<hbm>>
    %dma_start3A_12 = arith.constant 0 : i32
    %dma_start3A_13 = tpu.memref_slice %arg2[%add3A_9, %dma_start3A_12] : memref<8192x768xf32, #tpu.memory_space<hbm>> -> memref<8x768xf32, #tpu.memory_space<hbm>>
    tpu.enqueue_dma source(%dma_start3A_13 : memref<8x768xf32, #tpu.memory_space<hbm>>) target(%arg7 : memref<8x768xf32, #tpu.memory_space<vmem>>) target_semaphore(%arg11 : memref<!tpu.dma_semaphore, #tpu.memory_space<semaphore_mem>>)
    "tpu.region"() ({
      %run_scoped3A = tpu.sem_alloc : memref<!tpu.dma_semaphore, #tpu.memory_space<semaphore_mem>>
      tpu.enqueue_dma source(%arg3 : memref<6x768xf32, #tpu.memory_space<hbm>>) target(%arg5 : memref<6x768xf32, #tpu.memory_space<vmem>>) target_semaphore(%run_scoped3A : memref<!tpu.dma_semaphore, #tpu.memory_space<semaphore_mem>>)
      tpu.wait_dma2 semaphore(%run_scoped3A : memref<!tpu.dma_semaphore, #tpu.memory_space<semaphore_mem>>) src(%arg3 : memref<6x768xf32, #tpu.memory_space<hbm>>) dst(%arg5 : memref<6x768xf32, #tpu.memory_space<vmem>>)
      tpu.yield
    }) : () -> ()
    %scan3A = arith.constant 0 : i32
    %scan3A_14 = arith.constant 0 : i32
    %scan3A_15 = arith.constant 16 : i32
    %scan3A_16 = arith.addi %scan3A_14, %scan3A_15 : i32
    %scan3A_17 = arith.constant 1 : i32
    %scan3A_18 = scf.for %scan3A_35 = %scan3A_14 to %scan3A_16 step %scan3A_17 iter_args(%scan3A_36 = %scan3A) -> (i32)  : i32 {
      %mul3A_37 = arith.constant 2 : i32
      %mul3A_38 = arith.muli %scan3A_35, %mul3A_37 : i32
      %add3A_39 = arith.constant 0 : i32
      %add3A_40 = arith.addi %mul3A_38, %add3A_39 : i32
      %mul3A_41 = arith.constant 8 : i32
      %mul3A_42 = arith.muli %add3A_40, %mul3A_41 : i32
      %add3A_43 = arith.addi %mul3A_2, %mul3A_42 : i32
      %dma_wait3A_44 = arith.constant 0 : i32
      %dma_wait3A_45 = tpu.memref_slice %arg2[%add3A_43, %dma_wait3A_44] : memref<8192x768xf32, #tpu.memory_space<hbm>> -> memref<8x768xf32, #tpu.memory_space<hbm>>
      %dma_wait3A_46 = arith.constant 0 : i32
      %dma_wait3A_47 = tpu.memref_slice %arg2[%add3A_43, %dma_wait3A_46] : memref<8192x768xf32, #tpu.memory_space<hbm>> -> memref<8x768xf32, #tpu.memory_space<hbm>>
      tpu.wait_dma2 semaphore(%arg10 : memref<!tpu.dma_semaphore, #tpu.memory_space<semaphore_mem>>) src(%dma_wait3A_47 : memref<8x768xf32, #tpu.memory_space<hbm>>) dst(%arg6 : memref<8x768xf32, #tpu.memory_space<vmem>>)
      %gt3A = arith.constant 0 : i32
      %gt3A_48 = arith.cmpi sgt, %scan3A_35, %gt3A : i32
      %convert_element_type3A = arith.extui %gt3A_48 : i1 to i32
      %cond3A = arith.constant 0 : i32
      %cond3A_49 = arith.cmpi ne, %convert_element_type3A, %cond3A : i32
      scf.if %cond3A_49 {
        %sub3A = arith.constant 2 : i32
        %sub3A_112 = arith.subi %add3A_40, %sub3A : i32
        %mul3A_113 = arith.constant 8 : i32
        %mul3A_114 = arith.muli %sub3A_112, %mul3A_113 : i32
        %add3A_115 = arith.addi %mul3A_2, %mul3A_114 : i32
        %mul3A_116 = arith.constant 6 : i32
        %mul3A_117 = arith.muli %add3A_115, %mul3A_116 : i32
        %dma_wait3A_118 = arith.constant 0 : i32
        %dma_wait3A_119 = tpu.memref_slice %arg4[%mul3A_117, %dma_wait3A_118] : memref<49152x768xf32, #tpu.memory_space<hbm>> -> memref<48x768xf32, #tpu.memory_space<hbm>>
        %dma_wait3A_120 = arith.constant 0 : i32
        %dma_wait3A_121 = tpu.memref_slice %arg4[%mul3A_117, %dma_wait3A_120] : memref<49152x768xf32, #tpu.memory_space<hbm>> -> memref<48x768xf32, #tpu.memory_space<hbm>>
        tpu.wait_dma2 semaphore(%arg12 : memref<!tpu.dma_semaphore, #tpu.memory_space<semaphore_mem>>) src(%arg8 : memref<48x768xf32, #tpu.memory_space<vmem>>) dst(%dma_wait3A_121 : memref<48x768xf32, #tpu.memory_space<hbm>>)
      } else {
      }
      %scan3A_50 = arith.constant 0 : i32
      %scan3A_51 = arith.constant 0 : i32
      %scan3A_52 = arith.constant 48 : i32
      %scan3A_53 = arith.addi %scan3A_51, %scan3A_52 : i32
      %scan3A_54 = arith.constant 1 : i32
      %scan3A_55 = scf.for %scan3A_112 = %scan3A_51 to %scan3A_53 step %scan3A_54 iter_args(%scan3A_113 = %scan3A_50) -> (i32)  : i32 {
        %mul3A_114 = arith.constant 16 : i32
        %mul3A_115 = arith.muli %scan3A_112, %mul3A_114 : i32
        %multiple_of3A = tpu.assume_multiple %mul3A_115, 16 : i32
        %get3A = arith.constant 0 : i32
        %get3A_116 = arith.index_cast %get3A : i32 to index
        %get3A_117 = arith.index_cast %multiple_of3A : i32 to index
        %get3A_118 = tpu.vector_load %arg5[%get3A_116, %get3A_117] {strides = array<i32>} : memref<6x768xf32, #tpu.memory_space<vmem>>, vector<1x16xf32>,
        %get3A_119 = vector.shape_cast %get3A_118 : vector<1x16xf32> to vector<16xf32>
        %get3A_120 = arith.constant 1 : i32
        %get3A_121 = arith.index_cast %get3A_120 : i32 to index
        %get3A_122 = arith.index_cast %multiple_of3A : i32 to index
        %get3A_123 = tpu.vector_load %arg5[%get3A_121, %get3A_122] {strides = array<i32>} : memref<6x768xf32, #tpu.memory_space<vmem>>, vector<1x16xf32>,
        %get3A_124 = vector.shape_cast %get3A_123 : vector<1x16xf32> to vector<16xf32>
        %get3A_125 = arith.constant 2 : i32
        %get3A_126 = arith.index_cast %get3A_125 : i32 to index
        %get3A_127 = arith.index_cast %multiple_of3A : i32 to index
        %get3A_128 = tpu.vector_load %arg5[%get3A_126, %get3A_127] {strides = array<i32>} : memref<6x768xf32, #tpu.memory_space<vmem>>, vector<1x16xf32>,
        %get3A_129 = vector.shape_cast %get3A_128 : vector<1x16xf32> to vector<16xf32>
        %get3A_130 = arith.constant 3 : i32
        %get3A_131 = arith.index_cast %get3A_130 : i32 to index
        %get3A_132 = arith.index_cast %multiple_of3A : i32 to index
        %get3A_133 = tpu.vector_load %arg5[%get3A_131, %get3A_132] {strides = array<i32>} : memref<6x768xf32, #tpu.memory_space<vmem>>, vector<1x16xf32>,
        %get3A_134 = vector.shape_cast %get3A_133 : vector<1x16xf32> to vector<16xf32>
        %get3A_135 = arith.constant 4 : i32
        %get3A_136 = arith.index_cast %get3A_135 : i32 to index
        %get3A_137 = arith.index_cast %multiple_of3A : i32 to index
        %get3A_138 = tpu.vector_load %arg5[%get3A_136, %get3A_137] {strides = array<i32>} : memref<6x768xf32, #tpu.memory_space<vmem>>, vector<1x16xf32>,
        %get3A_139 = vector.shape_cast %get3A_138 : vector<1x16xf32> to vector<16xf32>
        %get3A_140 = arith.constant 5 : i32
        %get3A_141 = arith.index_cast %get3A_140 : i32 to index
        %get3A_142 = arith.index_cast %multiple_of3A : i32 to index
        %get3A_143 = tpu.vector_load %arg5[%get3A_141, %get3A_142] {strides = array<i32>} : memref<6x768xf32, #tpu.memory_space<vmem>>, vector<1x16xf32>,
        %get3A_144 = vector.shape_cast %get3A_143 : vector<1x16xf32> to vector<16xf32>
        %scan3A_145 = arith.constant 0 : i32
        %scan3A_146 = arith.constant 0 : i32
        %scan3A_147 = arith.constant 8 : i32
        %scan3A_148 = arith.addi %scan3A_146, %scan3A_147 : i32
        %scan3A_149 = arith.constant 2 : i32
        %scan3A_150 = scf.for %scan3A_153 = %scan3A_146 to %scan3A_148 step %scan3A_149 iter_args(%scan3A_154 = %scan3A_145) -> (i32)  : i32 {
          %get3A_155 = arith.index_cast %scan3A_153 : i32 to index
          %get3A_156 = arith.index_cast %multiple_of3A : i32 to index
          %get3A_157 = tpu.vector_load %arg6[%get3A_155, %get3A_156] {strides = array<i32>} : memref<8x768xf32, #tpu.memory_space<vmem>>, vector<1x16xf32>,
          %get3A_158 = vector.shape_cast %get3A_157 : vector<1x16xf32> to vector<16xf32>
          %add3A_159 = arith.addf %get3A_158, %get3A_119 : vector<16xf32>
          %mul3A_160 = arith.constant 6 : i32
          %mul3A_161 = arith.muli %scan3A_153, %mul3A_160 : i32
          %add3A_162 = arith.constant 0 : i32
          %add3A_163 = arith.addi %mul3A_161, %add3A_162 : i32
          %swap3A = arith.index_cast %add3A_163 : i32 to index
          %swap3A_164 = arith.index_cast %multiple_of3A : i32 to index
          %swap3A_165 = tpu.vector_load %arg8[%swap3A, %swap3A_164] {strides = array<i32>} : memref<48x768xf32, #tpu.memory_space<vmem>>, vector<1x16xf32>,
          %swap3A_166 = vector.shape_cast %swap3A_165 : vector<1x16xf32> to vector<16xf32>
          %swap3A_167 = vector.shape_cast %add3A_159 : vector<16xf32> to vector<1x16xf32>
          tpu.vector_store %arg8[%swap3A, %swap3A_164], %swap3A_167 {strides = array<i32>} : memref<48x768xf32, #tpu.memory_space<vmem>>, vector<1x16xf32>,
          %add3A_168 = arith.addf %get3A_158, %get3A_124 : vector<16xf32>
          %mul3A_169 = arith.constant 6 : i32
          %mul3A_170 = arith.muli %scan3A_153, %mul3A_169 : i32
          %add3A_171 = arith.constant 1 : i32
          %add3A_172 = arith.addi %mul3A_170, %add3A_171 : i32
          %swap3A_173 = arith.index_cast %add3A_172 : i32 to index
          %swap3A_174 = arith.index_cast %multiple_of3A : i32 to index
          %swap3A_175 = tpu.vector_load %arg8[%swap3A_173, %swap3A_174] {strides = array<i32>} : memref<48x768xf32, #tpu.memory_space<vmem>>, vector<1x16xf32>,
          %swap3A_176 = vector.shape_cast %swap3A_175 : vector<1x16xf32> to vector<16xf32>
          %swap3A_177 = vector.shape_cast %add3A_168 : vector<16xf32> to vector<1x16xf32>
          tpu.vector_store %arg8[%swap3A_173, %swap3A_174], %swap3A_177 {strides = array<i32>} : memref<48x768xf32, #tpu.memory_space<vmem>>, vector<1x16xf32>,
          %add3A_178 = arith.addf %get3A_158, %get3A_129 : vector<16xf32>
          %mul3A_179 = arith.constant 6 : i32
          %mul3A_180 = arith.muli %scan3A_153, %mul3A_179 : i32
          %add3A_181 = arith.constant 2 : i32
          %add3A_182 = arith.addi %mul3A_180, %add3A_181 : i32
          %swap3A_183 = arith.index_cast %add3A_182 : i32 to index
          %swap3A_184 = arith.index_cast %multiple_of3A : i32 to index
          %swap3A_185 = tpu.vector_load %arg8[%swap3A_183, %swap3A_184] {strides = array<i32>} : memref<48x768xf32, #tpu.memory_space<vmem>>, vector<1x16xf32>,
          %swap3A_186 = vector.shape_cast %swap3A_185 : vector<1x16xf32> to vector<16xf32>
          %swap3A_187 = vector.shape_cast %add3A_178 : vector<16xf32> to vector<1x16xf32>
          tpu.vector_store %arg8[%swap3A_183, %swap3A_184], %swap3A_187 {strides = array<i32>} : memref<48x768xf32, #tpu.memory_space<vmem>>, vector<1x16xf32>,
          %add3A_188 = arith.addf %get3A_158, %get3A_134 : vector<16xf32>
          %mul3A_189 = arith.constant 6 : i32
          %mul3A_190 = arith.muli %scan3A_153, %mul3A_189 : i32
          %add3A_191 = arith.constant 3 : i32
          %add3A_192 = arith.addi %mul3A_190, %add3A_191 : i32
          %swap3A_193 = arith.index_cast %add3A_192 : i32 to index
          %swap3A_194 = arith.index_cast %multiple_of3A : i32 to index
          %swap3A_195 = tpu.vector_load %arg8[%swap3A_193, %swap3A_194] {strides = array<i32>} : memref<48x768xf32, #tpu.memory_space<vmem>>, vector<1x16xf32>,
          %swap3A_196 = vector.shape_cast %swap3A_195 : vector<1x16xf32> to vector<16xf32>
          %swap3A_197 = vector.shape_cast %add3A_188 : vector<16xf32> to vector<1x16xf32>
          tpu.vector_store %arg8[%swap3A_193, %swap3A_194], %swap3A_197 {strides = array<i32>} : memref<48x768xf32, #tpu.memory_space<vmem>>, vector<1x16xf32>,
          %add3A_198 = arith.addf %get3A_158, %get3A_139 : vector<16xf32>
          %mul3A_199 = arith.constant 6 : i32
          %mul3A_200 = arith.muli %scan3A_153, %mul3A_199 : i32
          %add3A_201 = arith.constant 4 : i32
          %add3A_202 = arith.addi %mul3A_200, %add3A_201 : i32
          %swap3A_203 = arith.index_cast %add3A_202 : i32 to index
          %swap3A_204 = arith.index_cast %multiple_of3A : i32 to index
          %swap3A_205 = tpu.vector_load %arg8[%swap3A_203, %swap3A_204] {strides = array<i32>} : memref<48x768xf32, #tpu.memory_space<vmem>>, vector<1x16xf32>,
          %swap3A_206 = vector.shape_cast %swap3A_205 : vector<1x16xf32> to vector<16xf32>
          %swap3A_207 = vector.shape_cast %add3A_198 : vector<16xf32> to vector<1x16xf32>
          tpu.vector_store %arg8[%swap3A_203, %swap3A_204], %swap3A_207 {strides = array<i32>} : memref<48x768xf32, #tpu.memory_space<vmem>>, vector<1x16xf32>,
          %add3A_208 = arith.addf %get3A_158, %get3A_144 : vector<16xf32>
          %mul3A_209 = arith.constant 6 : i32
          %mul3A_210 = arith.muli %scan3A_153, %mul3A_209 : i32
          %add3A_211 = arith.constant 5 : i32
          %add3A_212 = arith.addi %mul3A_210, %add3A_211 : i32
          %swap3A_213 = arith.index_cast %add3A_212 : i32 to index
          %swap3A_214 = arith.index_cast %multiple_of3A : i32 to index
          %swap3A_215 = tpu.vector_load %arg8[%swap3A_213, %swap3A_214] {strides = array<i32>} : memref<48x768xf32, #tpu.memory_space<vmem>>, vector<1x16xf32>,
          %swap3A_216 = vector.shape_cast %swap3A_215 : vector<1x16xf32> to vector<16xf32>
          %swap3A_217 = vector.shape_cast %add3A_208 : vector<16xf32> to vector<1x16xf32>
          tpu.vector_store %arg8[%swap3A_213, %swap3A_214], %swap3A_217 {strides = array<i32>} : memref<48x768xf32, #tpu.memory_space<vmem>>, vector<1x16xf32>,
          %scan3A_218 = arith.constant 0 : i32
          %scan3A_219 = arith.constant 1 : i32
          %scan3A_220 = arith.addi %scan3A_153, %scan3A_219 : i32
          %get3A_221 = arith.index_cast %scan3A_220 : i32 to index
          %get3A_222 = arith.index_cast %multiple_of3A : i32 to index
          %get3A_223 = tpu.vector_load %arg6[%get3A_221, %get3A_222] {strides = array<i32>} : memref<8x768xf32, #tpu.memory_space<vmem>>, vector<1x16xf32>,
          %get3A_224 = vector.shape_cast %get3A_223 : vector<1x16xf32> to vector<16xf32>
          %add3A_225 = arith.addf %get3A_224, %get3A_119 : vector<16xf32>
          %mul3A_226 = arith.constant 6 : i32
          %mul3A_227 = arith.muli %scan3A_220, %mul3A_226 : i32
          %add3A_228 = arith.constant 0 : i32
          %add3A_229 = arith.addi %mul3A_227, %add3A_228 : i32
          %swap3A_230 = arith.index_cast %add3A_229 : i32 to index
          %swap3A_231 = arith.index_cast %multiple_of3A : i32 to index
          %swap3A_232 = tpu.vector_load %arg8[%swap3A_230, %swap3A_231] {strides = array<i32>} : memref<48x768xf32, #tpu.memory_space<vmem>>, vector<1x16xf32>,
          %swap3A_233 = vector.shape_cast %swap3A_232 : vector<1x16xf32> to vector<16xf32>
          %swap3A_234 = vector.shape_cast %add3A_225 : vector<16xf32> to vector<1x16xf32>
          tpu.vector_store %arg8[%swap3A_230, %swap3A_231], %swap3A_234 {strides = array<i32>} : memref<48x768xf32, #tpu.memory_space<vmem>>, vector<1x16xf32>,
          %add3A_235 = arith.addf %get3A_224, %get3A_124 : vector<16xf32>
          %mul3A_236 = arith.constant 6 : i32
          %mul3A_237 = arith.muli %scan3A_220, %mul3A_236 : i32
          %add3A_238 = arith.constant 1 : i32
          %add3A_239 = arith.addi %mul3A_237, %add3A_238 : i32
          %swap3A_240 = arith.index_cast %add3A_239 : i32 to index
          %swap3A_241 = arith.index_cast %multiple_of3A : i32 to index
          %swap3A_242 = tpu.vector_load %arg8[%swap3A_240, %swap3A_241] {strides = array<i32>} : memref<48x768xf32, #tpu.memory_space<vmem>>, vector<1x16xf32>,
          %swap3A_243 = vector.shape_cast %swap3A_242 : vector<1x16xf32> to vector<16xf32>
          %swap3A_244 = vector.shape_cast %add3A_235 : vector<16xf32> to vector<1x16xf32>
          tpu.vector_store %arg8[%swap3A_240, %swap3A_241], %swap3A_244 {strides = array<i32>} : memref<48x768xf32, #tpu.memory_space<vmem>>, vector<1x16xf32>,
          %add3A_245 = arith.addf %get3A_224, %get3A_129 : vector<16xf32>
          %mul3A_246 = arith.constant 6 : i32
          %mul3A_247 = arith.muli %scan3A_220, %mul3A_246 : i32
          %add3A_248 = arith.constant 2 : i32
          %add3A_249 = arith.addi %mul3A_247, %add3A_248 : i32
          %swap3A_250 = arith.index_cast %add3A_249 : i32 to index
          %swap3A_251 = arith.index_cast %multiple_of3A : i32 to index
          %swap3A_252 = tpu.vector_load %arg8[%swap3A_250, %swap3A_251] {strides = array<i32>} : memref<48x768xf32, #tpu.memory_space<vmem>>, vector<1x16xf32>,
          %swap3A_253 = vector.shape_cast %swap3A_252 : vector<1x16xf32> to vector<16xf32>
          %swap3A_254 = vector.shape_cast %add3A_245 : vector<16xf32> to vector<1x16xf32>
          tpu.vector_store %arg8[%swap3A_250, %swap3A_251], %swap3A_254 {strides = array<i32>} : memref<48x768xf32, #tpu.memory_space<vmem>>, vector<1x16xf32>,
          %add3A_255 = arith.addf %get3A_224, %get3A_134 : vector<16xf32>
          %mul3A_256 = arith.constant 6 : i32
          %mul3A_257 = arith.muli %scan3A_220, %mul3A_256 : i32
          %add3A_258 = arith.constant 3 : i32
          %add3A_259 = arith.addi %mul3A_257, %add3A_258 : i32
          %swap3A_260 = arith.index_cast %add3A_259 : i32 to index
          %swap3A_261 = arith.index_cast %multiple_of3A : i32 to index
          %swap3A_262 = tpu.vector_load %arg8[%swap3A_260, %swap3A_261] {strides = array<i32>} : memref<48x768xf32, #tpu.memory_space<vmem>>, vector<1x16xf32>,
          %swap3A_263 = vector.shape_cast %swap3A_262 : vector<1x16xf32> to vector<16xf32>
          %swap3A_264 = vector.shape_cast %add3A_255 : vector<16xf32> to vector<1x16xf32>
          tpu.vector_store %arg8[%swap3A_260, %swap3A_261], %swap3A_264 {strides = array<i32>} : memref<48x768xf32, #tpu.memory_space<vmem>>, vector<1x16xf32>,
          %add3A_265 = arith.addf %get3A_224, %get3A_139 : vector<16xf32>
          %mul3A_266 = arith.constant 6 : i32
          %mul3A_267 = arith.muli %scan3A_220, %mul3A_266 : i32
          %add3A_268 = arith.constant 4 : i32
          %add3A_269 = arith.addi %mul3A_267, %add3A_268 : i32
          %swap3A_270 = arith.index_cast %add3A_269 : i32 to index
          %swap3A_271 = arith.index_cast %multiple_of3A : i32 to index
          %swap3A_272 = tpu.vector_load %arg8[%swap3A_270, %swap3A_271] {strides = array<i32>} : memref<48x768xf32, #tpu.memory_space<vmem>>, vector<1x16xf32>,
          %swap3A_273 = vector.shape_cast %swap3A_272 : vector<1x16xf32> to vector<16xf32>
          %swap3A_274 = vector.shape_cast %add3A_265 : vector<16xf32> to vector<1x16xf32>
          tpu.vector_store %arg8[%swap3A_270, %swap3A_271], %swap3A_274 {strides = array<i32>} : memref<48x768xf32, #tpu.memory_space<vmem>>, vector<1x16xf32>,
          %add3A_275 = arith.addf %get3A_224, %get3A_144 : vector<16xf32>
          %mul3A_276 = arith.constant 6 : i32
          %mul3A_277 = arith.muli %scan3A_220, %mul3A_276 : i32
          %add3A_278 = arith.constant 5 : i32
          %add3A_279 = arith.addi %mul3A_277, %add3A_278 : i32
          %swap3A_280 = arith.index_cast %add3A_279 : i32 to index
          %swap3A_281 = arith.index_cast %multiple_of3A : i32 to index
          %swap3A_282 = tpu.vector_load %arg8[%swap3A_280, %swap3A_281] {strides = array<i32>} : memref<48x768xf32, #tpu.memory_space<vmem>>, vector<1x16xf32>,
          %swap3A_283 = vector.shape_cast %swap3A_282 : vector<1x16xf32> to vector<16xf32>
          %swap3A_284 = vector.shape_cast %add3A_275 : vector<16xf32> to vector<1x16xf32>
          tpu.vector_store %arg8[%swap3A_280, %swap3A_281], %swap3A_284 {strides = array<i32>} : memref<48x768xf32, #tpu.memory_space<vmem>>, vector<1x16xf32>,
          %scan3A_285 = arith.constant 0 : i32
          scf.yield %scan3A_285 : i32
        }
        %scan3A_151 = arith.constant 8 : i32
        %scan3A_152 = arith.constant 0 : i32
        scf.yield %scan3A_152 : i32
      }
      %scan3A_56 = arith.constant 48 : i32
      %mul3A_57 = arith.constant 8 : i32
      %mul3A_58 = arith.muli %add3A_40, %mul3A_57 : i32
      %add3A_59 = arith.addi %mul3A_2, %mul3A_58 : i32
      %mul3A_60 = arith.constant 6 : i32
      %mul3A_61 = arith.muli %add3A_59, %mul3A_60 : i32
      %dma_start3A_62 = arith.constant 0 : i32
      %dma_start3A_63 = tpu.memref_slice %arg4[%mul3A_61, %dma_start3A_62] : memref<49152x768xf32, #tpu.memory_space<hbm>> -> memref<48x768xf32, #tpu.memory_space<hbm>>
      %dma_start3A_64 = arith.constant 0 : i32
      %dma_start3A_65 = tpu.memref_slice %arg4[%mul3A_61, %dma_start3A_64] : memref<49152x768xf32, #tpu.memory_space<hbm>> -> memref<48x768xf32, #tpu.memory_space<hbm>>
      tpu.enqueue_dma source(%arg8 : memref<48x768xf32, #tpu.memory_space<vmem>>) target(%dma_start3A_65 : memref<48x768xf32, #tpu.memory_space<hbm>>) target_semaphore(%arg12 : memref<!tpu.dma_semaphore, #tpu.memory_space<semaphore_mem>>)
      %add3A_66 = arith.constant 2 : i32
      %add3A_67 = arith.addi %add3A_40, %add3A_66 : i32
      %lt3A = arith.constant 32 : i32
      %lt3A_68 = arith.cmpi slt, %add3A_67, %lt3A : i32
      %convert_element_type3A_69 = arith.extui %lt3A_68 : i1 to i32
      %cond3A_70 = arith.constant 0 : i32
      %cond3A_71 = arith.cmpi ne, %convert_element_type3A_69, %cond3A_70 : i32
      scf.if %cond3A_71 {
        %add3A_112 = arith.constant 2 : i32
        %add3A_113 = arith.addi %add3A_40, %add3A_112 : i32
        %mul3A_114 = arith.constant 8 : i32
        %mul3A_115 = arith.muli %add3A_113, %mul3A_114 : i32
        %add3A_116 = arith.addi %mul3A_2, %mul3A_115 : i32
        %dma_start3A_117 = arith.constant 0 : i32
        %dma_start3A_118 = tpu.memref_slice %arg2[%add3A_116, %dma_start3A_117] : memref<8192x768xf32, #tpu.memory_space<hbm>> -> memref<8x768xf32, #tpu.memory_space<hbm>>
        %dma_start3A_119 = arith.constant 0 : i32
        %dma_start3A_120 = tpu.memref_slice %arg2[%add3A_116, %dma_start3A_119] : memref<8192x768xf32, #tpu.memory_space<hbm>> -> memref<8x768xf32, #tpu.memory_space<hbm>>
        tpu.enqueue_dma source(%dma_start3A_120 : memref<8x768xf32, #tpu.memory_space<hbm>>) target(%arg6 : memref<8x768xf32, #tpu.memory_space<vmem>>) target_semaphore(%arg10 : memref<!tpu.dma_semaphore, #tpu.memory_space<semaphore_mem>>)
      } else {
      }
      %mul3A_72 = arith.constant 2 : i32
      %mul3A_73 = arith.muli %scan3A_35, %mul3A_72 : i32
      %add3A_74 = arith.constant 1 : i32
      %add3A_75 = arith.addi %mul3A_73, %add3A_74 : i32
      %mul3A_76 = arith.constant 8 : i32
      %mul3A_77 = arith.muli %add3A_75, %mul3A_76 : i32
      %add3A_78 = arith.addi %mul3A_2, %mul3A_77 : i32
      %dma_wait3A_79 = arith.constant 0 : i32
      %dma_wait3A_80 = tpu.memref_slice %arg2[%add3A_78, %dma_wait3A_79] : memref<8192x768xf32, #tpu.memory_space<hbm>> -> memref<8x768xf32, #tpu.memory_space<hbm>>
      %dma_wait3A_81 = arith.constant 0 : i32
      %dma_wait3A_82 = tpu.memref_slice %arg2[%add3A_78, %dma_wait3A_81] : memref<8192x768xf32, #tpu.memory_space<hbm>> -> memref<8x768xf32, #tpu.memory_space<hbm>>
      tpu.wait_dma2 semaphore(%arg11 : memref<!tpu.dma_semaphore, #tpu.memory_space<semaphore_mem>>) src(%dma_wait3A_82 : memref<8x768xf32, #tpu.memory_space<hbm>>) dst(%arg7 : memref<8x768xf32, #tpu.memory_space<vmem>>)
      %gt3A_83 = arith.constant 0 : i32
      %gt3A_84 = arith.cmpi sgt, %scan3A_35, %gt3A_83 : i32
      %convert_element_type3A_85 = arith.extui %gt3A_84 : i1 to i32
      %cond3A_86 = arith.constant 0 : i32
      %cond3A_87 = arith.cmpi ne, %convert_element_type3A_85, %cond3A_86 : i32
      scf.if %cond3A_87 {
        %sub3A = arith.constant 2 : i32
        %sub3A_112 = arith.subi %add3A_75, %sub3A : i32
        %mul3A_113 = arith.constant 8 : i32
        %mul3A_114 = arith.muli %sub3A_112, %mul3A_113 : i32
        %add3A_115 = arith.addi %mul3A_2, %mul3A_114 : i32
        %mul3A_116 = arith.constant 6 : i32
        %mul3A_117 = arith.muli %add3A_115, %mul3A_116 : i32
        %dma_wait3A_118 = arith.constant 0 : i32
        %dma_wait3A_119 = tpu.memref_slice %arg4[%mul3A_117, %dma_wait3A_118] : memref<49152x768xf32, #tpu.memory_space<hbm>> -> memref<48x768xf32, #tpu.memory_space<hbm>>
        %dma_wait3A_120 = arith.constant 0 : i32
        %dma_wait3A_121 = tpu.memref_slice %arg4[%mul3A_117, %dma_wait3A_120] : memref<49152x768xf32, #tpu.memory_space<hbm>> -> memref<48x768xf32, #tpu.memory_space<hbm>>
        tpu.wait_dma2 semaphore(%arg13 : memref<!tpu.dma_semaphore, #tpu.memory_space<semaphore_mem>>) src(%arg9 : memref<48x768xf32, #tpu.memory_space<vmem>>) dst(%dma_wait3A_121 : memref<48x768xf32, #tpu.memory_space<hbm>>)
      } else {
      }
      %scan3A_88 = arith.constant 0 : i32
      %scan3A_89 = arith.constant 0 : i32
      %scan3A_90 = arith.constant 48 : i32
      %scan3A_91 = arith.addi %scan3A_89, %scan3A_90 : i32
      %scan3A_92 = arith.constant 1 : i32
      %scan3A_93 = scf.for %scan3A_112 = %scan3A_89 to %scan3A_91 step %scan3A_92 iter_args(%scan3A_113 = %scan3A_88) -> (i32)  : i32 {
        %mul3A_114 = arith.constant 16 : i32
        %mul3A_115 = arith.muli %scan3A_112, %mul3A_114 : i32
        %multiple_of3A = tpu.assume_multiple %mul3A_115, 16 : i32
        %get3A = arith.constant 0 : i32
        %get3A_116 = arith.index_cast %get3A : i32 to index
        %get3A_117 = arith.index_cast %multiple_of3A : i32 to index
        %get3A_118 = tpu.vector_load %arg5[%get3A_116, %get3A_117] {strides = array<i32>} : memref<6x768xf32, #tpu.memory_space<vmem>>, vector<1x16xf32>,
        %get3A_119 = vector.shape_cast %get3A_118 : vector<1x16xf32> to vector<16xf32>
        %get3A_120 = arith.constant 1 : i32
        %get3A_121 = arith.index_cast %get3A_120 : i32 to index
        %get3A_122 = arith.index_cast %multiple_of3A : i32 to index
        %get3A_123 = tpu.vector_load %arg5[%get3A_121, %get3A_122] {strides = array<i32>} : memref<6x768xf32, #tpu.memory_space<vmem>>, vector<1x16xf32>,
        %get3A_124 = vector.shape_cast %get3A_123 : vector<1x16xf32> to vector<16xf32>
        %get3A_125 = arith.constant 2 : i32
        %get3A_126 = arith.index_cast %get3A_125 : i32 to index
        %get3A_127 = arith.index_cast %multiple_of3A : i32 to index
        %get3A_128 = tpu.vector_load %arg5[%get3A_126, %get3A_127] {strides = array<i32>} : memref<6x768xf32, #tpu.memory_space<vmem>>, vector<1x16xf32>,
        %get3A_129 = vector.shape_cast %get3A_128 : vector<1x16xf32> to vector<16xf32>
        %get3A_130 = arith.constant 3 : i32
        %get3A_131 = arith.index_cast %get3A_130 : i32 to index
        %get3A_132 = arith.index_cast %multiple_of3A : i32 to index
        %get3A_133 = tpu.vector_load %arg5[%get3A_131, %get3A_132] {strides = array<i32>} : memref<6x768xf32, #tpu.memory_space<vmem>>, vector<1x16xf32>,
        %get3A_134 = vector.shape_cast %get3A_133 : vector<1x16xf32> to vector<16xf32>
        %get3A_135 = arith.constant 4 : i32
        %get3A_136 = arith.index_cast %get3A_135 : i32 to index
        %get3A_137 = arith.index_cast %multiple_of3A : i32 to index
        %get3A_138 = tpu.vector_load %arg5[%get3A_136, %get3A_137] {strides = array<i32>} : memref<6x768xf32, #tpu.memory_space<vmem>>, vector<1x16xf32>,
        %get3A_139 = vector.shape_cast %get3A_138 : vector<1x16xf32> to vector<16xf32>
        %get3A_140 = arith.constant 5 : i32
        %get3A_141 = arith.index_cast %get3A_140 : i32 to index
        %get3A_142 = arith.index_cast %multiple_of3A : i32 to index
        %get3A_143 = tpu.vector_load %arg5[%get3A_141, %get3A_142] {strides = array<i32>} : memref<6x768xf32, #tpu.memory_space<vmem>>, vector<1x16xf32>,
        %get3A_144 = vector.shape_cast %get3A_143 : vector<1x16xf32> to vector<16xf32>
        %scan3A_145 = arith.constant 0 : i32
        %scan3A_146 = arith.constant 0 : i32
        %scan3A_147 = arith.constant 8 : i32
        %scan3A_148 = arith.addi %scan3A_146, %scan3A_147 : i32
        %scan3A_149 = arith.constant 2 : i32
        %scan3A_150 = scf.for %scan3A_153 = %scan3A_146 to %scan3A_148 step %scan3A_149 iter_args(%scan3A_154 = %scan3A_145) -> (i32)  : i32 {
          %get3A_155 = arith.index_cast %scan3A_153 : i32 to index
          %get3A_156 = arith.index_cast %multiple_of3A : i32 to index
          %get3A_157 = tpu.vector_load %arg7[%get3A_155, %get3A_156] {strides = array<i32>} : memref<8x768xf32, #tpu.memory_space<vmem>>, vector<1x16xf32>,
          %get3A_158 = vector.shape_cast %get3A_157 : vector<1x16xf32> to vector<16xf32>
          %add3A_159 = arith.addf %get3A_158, %get3A_119 : vector<16xf32>
          %mul3A_160 = arith.constant 6 : i32
          %mul3A_161 = arith.muli %scan3A_153, %mul3A_160 : i32
          %add3A_162 = arith.constant 0 : i32
          %add3A_163 = arith.addi %mul3A_161, %add3A_162 : i32
          %swap3A = arith.index_cast %add3A_163 : i32 to index
          %swap3A_164 = arith.index_cast %multiple_of3A : i32 to index
          %swap3A_165 = tpu.vector_load %arg9[%swap3A, %swap3A_164] {strides = array<i32>} : memref<48x768xf32, #tpu.memory_space<vmem>>, vector<1x16xf32>,
          %swap3A_166 = vector.shape_cast %swap3A_165 : vector<1x16xf32> to vector<16xf32>
          %swap3A_167 = vector.shape_cast %add3A_159 : vector<16xf32> to vector<1x16xf32>
          tpu.vector_store %arg9[%swap3A, %swap3A_164], %swap3A_167 {strides = array<i32>} : memref<48x768xf32, #tpu.memory_space<vmem>>, vector<1x16xf32>,
          %add3A_168 = arith.addf %get3A_158, %get3A_124 : vector<16xf32>
          %mul3A_169 = arith.constant 6 : i32
          %mul3A_170 = arith.muli %scan3A_153, %mul3A_169 : i32
          %add3A_171 = arith.constant 1 : i32
          %add3A_172 = arith.addi %mul3A_170, %add3A_171 : i32
          %swap3A_173 = arith.index_cast %add3A_172 : i32 to index
          %swap3A_174 = arith.index_cast %multiple_of3A : i32 to index
          %swap3A_175 = tpu.vector_load %arg9[%swap3A_173, %swap3A_174] {strides = array<i32>} : memref<48x768xf32, #tpu.memory_space<vmem>>, vector<1x16xf32>,
          %swap3A_176 = vector.shape_cast %swap3A_175 : vector<1x16xf32> to vector<16xf32>
          %swap3A_177 = vector.shape_cast %add3A_168 : vector<16xf32> to vector<1x16xf32>
          tpu.vector_store %arg9[%swap3A_173, %swap3A_174], %swap3A_177 {strides = array<i32>} : memref<48x768xf32, #tpu.memory_space<vmem>>, vector<1x16xf32>,
          %add3A_178 = arith.addf %get3A_158, %get3A_129 : vector<16xf32>
          %mul3A_179 = arith.constant 6 : i32
          %mul3A_180 = arith.muli %scan3A_153, %mul3A_179 : i32
          %add3A_181 = arith.constant 2 : i32
          %add3A_182 = arith.addi %mul3A_180, %add3A_181 : i32
          %swap3A_183 = arith.index_cast %add3A_182 : i32 to index
          %swap3A_184 = arith.index_cast %multiple_of3A : i32 to index
          %swap3A_185 = tpu.vector_load %arg9[%swap3A_183, %swap3A_184] {strides = array<i32>} : memref<48x768xf32, #tpu.memory_space<vmem>>, vector<1x16xf32>,
          %swap3A_186 = vector.shape_cast %swap3A_185 : vector<1x16xf32> to vector<16xf32>
          %swap3A_187 = vector.shape_cast %add3A_178 : vector<16xf32> to vector<1x16xf32>
          tpu.vector_store %arg9[%swap3A_183, %swap3A_184], %swap3A_187 {strides = array<i32>} : memref<48x768xf32, #tpu.memory_space<vmem>>, vector<1x16xf32>,
          %add3A_188 = arith.addf %get3A_158, %get3A_134 : vector<16xf32>
          %mul3A_189 = arith.constant 6 : i32
          %mul3A_190 = arith.muli %scan3A_153, %mul3A_189 : i32
          %add3A_191 = arith.constant 3 : i32
          %add3A_192 = arith.addi %mul3A_190, %add3A_191 : i32
          %swap3A_193 = arith.index_cast %add3A_192 : i32 to index
          %swap3A_194 = arith.index_cast %multiple_of3A : i32 to index
          %swap3A_195 = tpu.vector_load %arg9[%swap3A_193, %swap3A_194] {strides = array<i32>} : memref<48x768xf32, #tpu.memory_space<vmem>>, vector<1x16xf32>,
          %swap3A_196 = vector.shape_cast %swap3A_195 : vector<1x16xf32> to vector<16xf32>
          %swap3A_197 = vector.shape_cast %add3A_188 : vector<16xf32> to vector<1x16xf32>
          tpu.vector_store %arg9[%swap3A_193, %swap3A_194], %swap3A_197 {strides = array<i32>} : memref<48x768xf32, #tpu.memory_space<vmem>>, vector<1x16xf32>,
          %add3A_198 = arith.addf %get3A_158, %get3A_139 : vector<16xf32>
          %mul3A_199 = arith.constant 6 : i32
          %mul3A_200 = arith.muli %scan3A_153, %mul3A_199 : i32
          %add3A_201 = arith.constant 4 : i32
          %add3A_202 = arith.addi %mul3A_200, %add3A_201 : i32
          %swap3A_203 = arith.index_cast %add3A_202 : i32 to index
          %swap3A_204 = arith.index_cast %multiple_of3A : i32 to index
          %swap3A_205 = tpu.vector_load %arg9[%swap3A_203, %swap3A_204] {strides = array<i32>} : memref<48x768xf32, #tpu.memory_space<vmem>>, vector<1x16xf32>,
          %swap3A_206 = vector.shape_cast %swap3A_205 : vector<1x16xf32> to vector<16xf32>
          %swap3A_207 = vector.shape_cast %add3A_198 : vector<16xf32> to vector<1x16xf32>
          tpu.vector_store %arg9[%swap3A_203, %swap3A_204], %swap3A_207 {strides = array<i32>} : memref<48x768xf32, #tpu.memory_space<vmem>>, vector<1x16xf32>,
          %add3A_208 = arith.addf %get3A_158, %get3A_144 : vector<16xf32>
          %mul3A_209 = arith.constant 6 : i32
          %mul3A_210 = arith.muli %scan3A_153, %mul3A_209 : i32
          %add3A_211 = arith.constant 5 : i32
          %add3A_212 = arith.addi %mul3A_210, %add3A_211 : i32
          %swap3A_213 = arith.index_cast %add3A_212 : i32 to index
          %swap3A_214 = arith.index_cast %multiple_of3A : i32 to index
          %swap3A_215 = tpu.vector_load %arg9[%swap3A_213, %swap3A_214] {strides = array<i32>} : memref<48x768xf32, #tpu.memory_space<vmem>>, vector<1x16xf32>,
          %swap3A_216 = vector.shape_cast %swap3A_215 : vector<1x16xf32> to vector<16xf32>
          %swap3A_217 = vector.shape_cast %add3A_208 : vector<16xf32> to vector<1x16xf32>
          tpu.vector_store %arg9[%swap3A_213, %swap3A_214], %swap3A_217 {strides = array<i32>} : memref<48x768xf32, #tpu.memory_space<vmem>>, vector<1x16xf32>,
          %scan3A_218 = arith.constant 0 : i32
          %scan3A_219 = arith.constant 1 : i32
          %scan3A_220 = arith.addi %scan3A_153, %scan3A_219 : i32
          %get3A_221 = arith.index_cast %scan3A_220 : i32 to index
          %get3A_222 = arith.index_cast %multiple_of3A : i32 to index
          %get3A_223 = tpu.vector_load %arg7[%get3A_221, %get3A_222] {strides = array<i32>} : memref<8x768xf32, #tpu.memory_space<vmem>>, vector<1x16xf32>,
          %get3A_224 = vector.shape_cast %get3A_223 : vector<1x16xf32> to vector<16xf32>
          %add3A_225 = arith.addf %get3A_224, %get3A_119 : vector<16xf32>
          %mul3A_226 = arith.constant 6 : i32
          %mul3A_227 = arith.muli %scan3A_220, %mul3A_226 : i32
          %add3A_228 = arith.constant 0 : i32
          %add3A_229 = arith.addi %mul3A_227, %add3A_228 : i32
          %swap3A_230 = arith.index_cast %add3A_229 : i32 to index
          %swap3A_231 = arith.index_cast %multiple_of3A : i32 to index
          %swap3A_232 = tpu.vector_load %arg9[%swap3A_230, %swap3A_231] {strides = array<i32>} : memref<48x768xf32, #tpu.memory_space<vmem>>, vector<1x16xf32>,
          %swap3A_233 = vector.shape_cast %swap3A_232 : vector<1x16xf32> to vector<16xf32>
          %swap3A_234 = vector.shape_cast %add3A_225 : vector<16xf32> to vector<1x16xf32>
          tpu.vector_store %arg9[%swap3A_230, %swap3A_231], %swap3A_234 {strides = array<i32>} : memref<48x768xf32, #tpu.memory_space<vmem>>, vector<1x16xf32>,
          %add3A_235 = arith.addf %get3A_224, %get3A_124 : vector<16xf32>
          %mul3A_236 = arith.constant 6 : i32
          %mul3A_237 = arith.muli %scan3A_220, %mul3A_236 : i32
          %add3A_238 = arith.constant 1 : i32
          %add3A_239 = arith.addi %mul3A_237, %add3A_238 : i32
          %swap3A_240 = arith.index_cast %add3A_239 : i32 to index
          %swap3A_241 = arith.index_cast %multiple_of3A : i32 to index
          %swap3A_242 = tpu.vector_load %arg9[%swap3A_240, %swap3A_241] {strides = array<i32>} : memref<48x768xf32, #tpu.memory_space<vmem>>, vector<1x16xf32>,
          %swap3A_243 = vector.shape_cast %swap3A_242 : vector<1x16xf32> to vector<16xf32>
          %swap3A_244 = vector.shape_cast %add3A_235 : vector<16xf32> to vector<1x16xf32>
          tpu.vector_store %arg9[%swap3A_240, %swap3A_241], %swap3A_244 {strides = array<i32>} : memref<48x768xf32, #tpu.memory_space<vmem>>, vector<1x16xf32>,
          %add3A_245 = arith.addf %get3A_224, %get3A_129 : vector<16xf32>
          %mul3A_246 = arith.constant 6 : i32
          %mul3A_247 = arith.muli %scan3A_220, %mul3A_246 : i32
          %add3A_248 = arith.constant 2 : i32
          %add3A_249 = arith.addi %mul3A_247, %add3A_248 : i32
          %swap3A_250 = arith.index_cast %add3A_249 : i32 to index
          %swap3A_251 = arith.index_cast %multiple_of3A : i32 to index
          %swap3A_252 = tpu.vector_load %arg9[%swap3A_250, %swap3A_251] {strides = array<i32>} : memref<48x768xf32, #tpu.memory_space<vmem>>, vector<1x16xf32>,
          %swap3A_253 = vector.shape_cast %swap3A_252 : vector<1x16xf32> to vector<16xf32>
          %swap3A_254 = vector.shape_cast %add3A_245 : vector<16xf32> to vector<1x16xf32>
          tpu.vector_store %arg9[%swap3A_250, %swap3A_251], %swap3A_254 {strides = array<i32>} : memref<48x768xf32, #tpu.memory_space<vmem>>, vector<1x16xf32>,
          %add3A_255 = arith.addf %get3A_224, %get3A_134 : vector<16xf32>
          %mul3A_256 = arith.constant 6 : i32
          %mul3A_257 = arith.muli %scan3A_220, %mul3A_256 : i32
          %add3A_258 = arith.constant 3 : i32
          %add3A_259 = arith.addi %mul3A_257, %add3A_258 : i32
          %swap3A_260 = arith.index_cast %add3A_259 : i32 to index
          %swap3A_261 = arith.index_cast %multiple_of3A : i32 to index
          %swap3A_262 = tpu.vector_load %arg9[%swap3A_260, %swap3A_261] {strides = array<i32>} : memref<48x768xf32, #tpu.memory_space<vmem>>, vector<1x16xf32>,
          %swap3A_263 = vector.shape_cast %swap3A_262 : vector<1x16xf32> to vector<16xf32>
          %swap3A_264 = vector.shape_cast %add3A_255 : vector<16xf32> to vector<1x16xf32>
          tpu.vector_store %arg9[%swap3A_260, %swap3A_261], %swap3A_264 {strides = array<i32>} : memref<48x768xf32, #tpu.memory_space<vmem>>, vector<1x16xf32>,
          %add3A_265 = arith.addf %get3A_224, %get3A_139 : vector<16xf32>
          %mul3A_266 = arith.constant 6 : i32
          %mul3A_267 = arith.muli %scan3A_220, %mul3A_266 : i32
          %add3A_268 = arith.constant 4 : i32
          %add3A_269 = arith.addi %mul3A_267, %add3A_268 : i32
          %swap3A_270 = arith.index_cast %add3A_269 : i32 to index
          %swap3A_271 = arith.index_cast %multiple_of3A : i32 to index
          %swap3A_272 = tpu.vector_load %arg9[%swap3A_270, %swap3A_271] {strides = array<i32>} : memref<48x768xf32, #tpu.memory_space<vmem>>, vector<1x16xf32>,
          %swap3A_273 = vector.shape_cast %swap3A_272 : vector<1x16xf32> to vector<16xf32>
          %swap3A_274 = vector.shape_cast %add3A_265 : vector<16xf32> to vector<1x16xf32>
          tpu.vector_store %arg9[%swap3A_270, %swap3A_271], %swap3A_274 {strides = array<i32>} : memref<48x768xf32, #tpu.memory_space<vmem>>, vector<1x16xf32>,
          %add3A_275 = arith.addf %get3A_224, %get3A_144 : vector<16xf32>
          %mul3A_276 = arith.constant 6 : i32
          %mul3A_277 = arith.muli %scan3A_220, %mul3A_276 : i32
          %add3A_278 = arith.constant 5 : i32
          %add3A_279 = arith.addi %mul3A_277, %add3A_278 : i32
          %swap3A_280 = arith.index_cast %add3A_279 : i32 to index
          %swap3A_281 = arith.index_cast %multiple_of3A : i32 to index
          %swap3A_282 = tpu.vector_load %arg9[%swap3A_280, %swap3A_281] {strides = array<i32>} : memref<48x768xf32, #tpu.memory_space<vmem>>, vector<1x16xf32>,
          %swap3A_283 = vector.shape_cast %swap3A_282 : vector<1x16xf32> to vector<16xf32>
          %swap3A_284 = vector.shape_cast %add3A_275 : vector<16xf32> to vector<1x16xf32>
          tpu.vector_store %arg9[%swap3A_280, %swap3A_281], %swap3A_284 {strides = array<i32>} : memref<48x768xf32, #tpu.memory_space<vmem>>, vector<1x16xf32>,
          %scan3A_285 = arith.constant 0 : i32
          scf.yield %scan3A_285 : i32
        }
        %scan3A_151 = arith.constant 8 : i32
        %scan3A_152 = arith.constant 0 : i32
        scf.yield %scan3A_152 : i32
      }
      %scan3A_94 = arith.constant 48 : i32
      %mul3A_95 = arith.constant 8 : i32
      %mul3A_96 = arith.muli %add3A_75, %mul3A_95 : i32
      %add3A_97 = arith.addi %mul3A_2, %mul3A_96 : i32
      %mul3A_98 = arith.constant 6 : i32
      %mul3A_99 = arith.muli %add3A_97, %mul3A_98 : i32
      %dma_start3A_100 = arith.constant 0 : i32
      %dma_start3A_101 = tpu.memref_slice %arg4[%mul3A_99, %dma_start3A_100] : memref<49152x768xf32, #tpu.memory_space<hbm>> -> memref<48x768xf32, #tpu.memory_space<hbm>>
      %dma_start3A_102 = arith.constant 0 : i32
      %dma_start3A_103 = tpu.memref_slice %arg4[%mul3A_99, %dma_start3A_102] : memref<49152x768xf32, #tpu.memory_space<hbm>> -> memref<48x768xf32, #tpu.memory_space<hbm>>
      tpu.enqueue_dma source(%arg9 : memref<48x768xf32, #tpu.memory_space<vmem>>) target(%dma_start3A_103 : memref<48x768xf32, #tpu.memory_space<hbm>>) target_semaphore(%arg13 : memref<!tpu.dma_semaphore, #tpu.memory_space<semaphore_mem>>)
      %add3A_104 = arith.constant 2 : i32
      %add3A_105 = arith.addi %add3A_75, %add3A_104 : i32
      %lt3A_106 = arith.constant 32 : i32
      %lt3A_107 = arith.cmpi slt, %add3A_105, %lt3A_106 : i32
      %convert_element_type3A_108 = arith.extui %lt3A_107 : i1 to i32
      %cond3A_109 = arith.constant 0 : i32
      %cond3A_110 = arith.cmpi ne, %convert_element_type3A_108, %cond3A_109 : i32
      scf.if %cond3A_110 {
        %add3A_112 = arith.constant 2 : i32
        %add3A_113 = arith.addi %add3A_75, %add3A_112 : i32
        %mul3A_114 = arith.constant 8 : i32
        %mul3A_115 = arith.muli %add3A_113, %mul3A_114 : i32
        %add3A_116 = arith.addi %mul3A_2, %mul3A_115 : i32
        %dma_start3A_117 = arith.constant 0 : i32
        %dma_start3A_118 = tpu.memref_slice %arg2[%add3A_116, %dma_start3A_117] : memref<8192x768xf32, #tpu.memory_space<hbm>> -> memref<8x768xf32, #tpu.memory_space<hbm>>
        %dma_start3A_119 = arith.constant 0 : i32
        %dma_start3A_120 = tpu.memref_slice %arg2[%add3A_116, %dma_start3A_119] : memref<8192x768xf32, #tpu.memory_space<hbm>> -> memref<8x768xf32, #tpu.memory_space<hbm>>
        tpu.enqueue_dma source(%dma_start3A_120 : memref<8x768xf32, #tpu.memory_space<hbm>>) target(%arg7 : memref<8x768xf32, #tpu.memory_space<vmem>>) target_semaphore(%arg11 : memref<!tpu.dma_semaphore, #tpu.memory_space<semaphore_mem>>)
      } else {
      }
      %scan3A_111 = arith.constant 0 : i32
      scf.yield %scan3A_111 : i32
    }
    %scan3A_19 = arith.constant 16 : i32
    %add3A_20 = arith.constant 240 : i32
    %add3A_21 = arith.addi %mul3A_2, %add3A_20 : i32
    %mul3A_22 = arith.constant 6 : i32
    %mul3A_23 = arith.muli %add3A_21, %mul3A_22 : i32
    %dma_wait3A = arith.constant 0 : i32
    %dma_wait3A_24 = tpu.memref_slice %arg4[%mul3A_23, %dma_wait3A] : memref<49152x768xf32, #tpu.memory_space<hbm>> -> memref<48x768xf32, #tpu.memory_space<hbm>>
    %dma_wait3A_25 = arith.constant 0 : i32
    %dma_wait3A_26 = tpu.memref_slice %arg4[%mul3A_23, %dma_wait3A_25] : memref<49152x768xf32, #tpu.memory_space<hbm>> -> memref<48x768xf32, #tpu.memory_space<hbm>>
    tpu.wait_dma2 semaphore(%arg12 : memref<!tpu.dma_semaphore, #tpu.memory_space<semaphore_mem>>) src(%arg8 : memref<48x768xf32, #tpu.memory_space<vmem>>) dst(%dma_wait3A_26 : memref<48x768xf32, #tpu.memory_space<hbm>>)
    %add3A_27 = arith.constant 248 : i32
    %add3A_28 = arith.addi %mul3A_2, %add3A_27 : i32
    %mul3A_29 = arith.constant 6 : i32
    %mul3A_30 = arith.muli %add3A_28, %mul3A_29 : i32
    %dma_wait3A_31 = arith.constant 0 : i32
    %dma_wait3A_32 = tpu.memref_slice %arg4[%mul3A_30, %dma_wait3A_31] : memref<49152x768xf32, #tpu.memory_space<hbm>> -> memref<48x768xf32, #tpu.memory_space<hbm>>
    %dma_wait3A_33 = arith.constant 0 : i32
    %dma_wait3A_34 = tpu.memref_slice %arg4[%mul3A_30, %dma_wait3A_33] : memref<49152x768xf32, #tpu.memory_space<hbm>> -> memref<48x768xf32, #tpu.memory_space<hbm>>
    tpu.wait_dma2 semaphore(%arg13 : memref<!tpu.dma_semaphore, #tpu.memory_space<semaphore_mem>>) src(%arg9 : memref<48x768xf32, #tpu.memory_space<vmem>>) dst(%dma_wait3A_34 : memref<48x768xf32, #tpu.memory_space<hbm>>)
    return
  }
}

</mosaic_0001>

<sc_bundles>
// kernel: kernel.3.cloned.1.call-start
scs
__scs_entry_jumppad:
0x0: {  	(pc) =	sbr.rel $0x88, $3  }
0x1: {  	(tag) =	ssettag $0x0;
	lr =	simm.s32 $0x1  }
0x2: {  	[smem:$0x3F9F] =	sst lr;
	_ =	strace $0xD0000000  }
0x3: {  	_ = 	snop  }
0x4: {  	_ = 	snop  }
0x5: {  	_ = 	snop  }
0x6: {  	_ = 	snop  }
0x7: {  	_ = 	snop  }
__scs_overlays_trampoline_lowered:
0x8: {  	[smem:$0x3FAE] =	sst s0  }
0x9: {  	[smem:$0x3FAF] =	sst s1  }
0xa: {  	[smem:$0x3FB0] =	sst s2  }
0xb: {  	[smem:$0x3FB1] =	sst s3  }
0xc: {  	[smem:$0x3FB2] =	sst s4  }
0xd: {  	[smem:$0x3FB3] =	sst s5  }
0xe: {  	[smem:$0x3FB4] =	sst s6  }
0xf: {  	[smem:$0x3FB5] =	sst s7  }
0x10: {  	[smem:$0x3FB6] =	sst s8  }
0x11: {  	[smem:$0x3FB7] =	sst s9;
	s0 =	simm.s32 @!p0 $0x0  }
0x12: {  	s1 =	sld [smem:$0x3F9D];
	s0 =	simm.s32 @p0 $0x1  }
0x13: {  	[smem:$0x3FB8] =	sst s0;
	s0 =	simm.s32 @!p1 $0x0  }
0x14: {  	s2 =	sld [smem:$0x3F9C];
	s0 =	simm.s32 @p1 $0x1  }
0x15: {  	[smem:$0x3FB9] =	sst s0;
	s0 =	simm.s32 @!p2 $0x0  }
0x16: {  	s3 =	sld [smem:$0x3FDB];
	s0 =	simm.s32 @p2 $0x1  }
0x17: {  	s4 =	simm.s32 $0x1BF5;
	[smem:$0x3FBB] =	sst s0  }
0x18: {  	s0 =	sld [smem:$0x3F9E];
	_ =	swait.ge [sflag:s4], $0x0  }
0x19: {  	s7 =	sld [smem:$0x3F9F]  }
0x1a: {  	s8 =	sadd.s32 $0xFFFFE003, lr  }
0x1b: {  	s9 =	sadd.s32 $0xFFFFFEF7, lr;
	s5 =	simm.s32 $0xFFFFFFFF;
	p2 =	slt.u32 s8, $0xFFFFF086  }
0x1c: {  	p1 =	slt.u32 s9, $0xF7A;
	s5 =	simm.s32 @!p2 $0x0  }
0x1d: {  	s5 =	simm.s32 @p1 $0x1;
	p0 =	seq.s32 s7, s2  }
0x1e: {  	s7 =	smul.u32 @!p0 $0xF7A, s2;
	p2 =	seq.s32 @!p0 s5, $0x0  }
0x1f: {  	s9 =	smul.u32 $0xF7A, s1;
	s8 =	simm.s32 @!p0 $0x1BF5;
	p2 =	por !p2, p0  }
0x20: {  	[sflag:s8] =	ssyncset.s32 @!p0 $0xFFFFF086;
	s6 =	sadd.s32 @!p0 s3, s7;
	s7 =	simm.s32 @!p0 $0x108  }
0x21: {  	s3 =	sadd.s32 s3, s9;
	s6 =	sadd.s32 @!p0 $0x88, s6;
	s7 =	simm.s32 @p2 $0x1082  }
0x22: {  	[simem:s7], [sflag:s8] =	dma.local @!p0 [hbm:s6], $0xF7A  }
0x23: {  	s9 =	sor.u32 $0xD0000000, s2;
	s6 =	simm.s32 $0x108;
	_ =	swait.ge @!p0 [sflag:s8], $0x0  }
0x24: {  	s3 =	sadd.s32 $0x88, s3;
	s6 =	simm.s32 @!p1 $0x1082;
	[sflag:s4] =	ssyncset.s32 $0xFFFFF086  }
0x25: {  	[simem:s6], [sflag:s4] =	dma.local [hbm:s3], $0xF7A  }
0x26: {  	[smem:$0x3F9F] =	sst s1;
	(tag) =	ssettag s2;
	_ =	strace s9  }
0x27: {  	s1 =	sld [smem:$0x3FAF]  }
0x28: {  	s2 =	sld [smem:$0x3FB0]  }
0x29: {  	s4 =	sld [smem:$0x3FB2]  }
0x2a: {  	p0 =	seq.s32 s5, $0x0;
	s5 =	sld [smem:$0x3FB3]  }
0x2b: {  	s6 =	sld [smem:$0x3FB4]  }
0x2c: {  	s7 =	sld [smem:$0x3FB5]  }
0x2d: {  	s3 =	simm.s32 $0x108;
	s8 =	sld [smem:$0x3FB6]  }
0x2e: {  	s3 =	simm.s32 @!p0 $0x1082;
	s9 =	sld [smem:$0x3FB7]  }
0x2f: {  	lr =	sadd.s32 s0, s3;
	s0 =	sld [smem:$0x3FAE]  }
0x30: {  	s3 =	sld [smem:$0x3FB1]  }
0x31: {  	[smem:$0x3FBA] =	sst s10  }
0x32: {  	s10 =	sld [smem:$0x3FB8];
	_ =	sdelay $0x3  }
0x33: {  	p0 =	seq.s32 s10, $0x1;
	s10 =	sld [smem:$0x3FBA];
	_ =	sdelay $0x3  }
0x34: {  	[smem:$0x3FBA] =	sst s10  }
0x35: {  	s10 =	sld [smem:$0x3FB9];
	_ =	sdelay $0x3  }
0x36: {  	p1 =	seq.s32 s10, $0x1;
	s10 =	sld [smem:$0x3FBA];
	_ =	sdelay $0x3  }
0x37: {  	[smem:$0x3FBA] =	sst s10  }
0x38: {  	s10 =	sld [smem:$0x3FBB]  }
0x39: {  	_ = 	snop;
	(pc) =	sbr.ind lr, $3  }
0x3a: {  	_ = 	snop  }
0x3b: {  	_ = 	snop  }
0x3c: {  	p2 =	seq.s32 s10, $0x1;
	s10 =	sld [smem:$0x3FBA]  }
0x3d: {  	_ =	shalt  }
0x3e: {  	_ =	shalt  }
0x3f: {  	_ =	shalt  }
0x40: {  	_ =	shalt  }
0x41: {  	_ =	shalt  }
0x42: {  	_ =	shalt  }
0x43: {  	_ =	shalt  }
0x44: {  	_ =	shalt  }
0x45: {  	_ =	shalt  }
0x46: {  	_ =	shalt  }
0x47: {  	_ =	shalt  }
0x48: {  	_ =	shalt  }
0x49: {  	_ =	shalt  }
0x4a: {  	_ =	shalt  }
0x4b: {  	_ =	shalt  }
0x4c: {  	_ =	shalt  }
0x4d: {  	_ =	shalt  }
0x4e: {  	_ =	shalt  }
0x4f: {  	_ =	shalt  }
0x50: {  	_ =	shalt  }
0x51: {  	_ =	shalt  }
0x52: {  	_ =	shalt  }
0x53: {  	_ =	shalt  }
0x54: {  	_ =	shalt  }
0x55: {  	_ =	shalt  }
0x56: {  	_ =	shalt  }
0x57: {  	_ =	shalt  }
0x58: {  	_ =	shalt  }
0x59: {  	_ =	shalt  }
0x5a: {  	_ =	shalt  }
0x5b: {  	_ =	shalt  }
0x5c: {  	_ =	shalt  }
0x5d: {  	_ =	shalt  }
0x5e: {  	_ =	shalt  }
0x5f: {  	_ =	shalt  }
0x60: {  	_ =	shalt  }
0x61: {  	_ =	shalt  }
0x62: {  	_ =	shalt  }
0x63: {  	_ =	shalt  }
0x64: {  	_ =	shalt  }
0x65: {  	_ =	shalt  }
0x66: {  	_ =	shalt  }
0x67: {  	_ =	shalt  }
0x68: {  	_ =	shalt  }
0x69: {  	_ =	shalt  }
0x6a: {  	_ =	shalt  }
0x6b: {  	_ =	shalt  }
0x6c: {  	_ =	shalt  }
0x6d: {  	_ =	shalt  }
0x6e: {  	_ =	shalt  }
0x6f: {  	_ =	shalt  }
0x70: {  	_ =	shalt  }
0x71: {  	_ =	shalt  }
0x72: {  	_ =	shalt  }
0x73: {  	_ =	shalt  }
0x74: {  	_ =	shalt  }
0x75: {  	_ =	shalt  }
0x76: {  	_ =	shalt  }
0x77: {  	_ =	shalt  }
0x78: {  	_ =	shalt  }
0x79: {  	_ =	shalt  }
0x7a: {  	_ =	shalt  }
0x7b: {  	_ =	shalt  }
0x7c: {  	_ =	shalt  }
0x7d: {  	_ =	shalt  }
0x7e: {  	_ =	shalt  }
0x7f: {  	_ =	shalt  }
0x80: {  	_ =	shalt  }
0x81: {  	_ =	shalt  }
0x82: {  	_ =	shalt  }
0x83: {  	_ =	shalt  }
0x84: {  	_ =	shalt  }
0x85: {  	_ =	shalt  }
0x86: {  	_ =	shalt  }
0x87: {  	_ =	shalt  }
.Lfunc_end0:
.L_simem_size_0:
called_computation_lowered:
.L_overlay_start_0:
0x88: {  	s2 =	sld [smem:$0x3FD9]  }
0x89: {  	s3 =	sld [smem:$0x3FFE];
	_ =	sdelay $0x1  }
0x8a: {  	s1 =	srdreg.scid  }
0x8b: {  	s0 =	sand.u32 $0x1, s1  }
0x8c: {  	s18 =	sshll.u32 s0, $0xA;
	s2 =	sadd.s32 s3, s2  }
0x8d: {  	s2 =	sadd.s32 s2, s18  }
0x8e: {  	[smem:$0x3FC6] =	sst s2  }
0x8f: {  	_ = 	snop  }
0x90: {  	s2 =	sld [smem:$0x3FC9]  }
0x91: {  	s19 =	sld [smem:$0x3FC8]  }
0x92: {  	s4 =	sld [smem:$0x3FD0];
	(tm) =	ssettm $0x1  }
0x93: {  	s5 =	sld [smem:$0x3FFB];
	_ =	sdelay $0x3  }
0x94: {  	_ =	strace s5  }
0x95: {  	s5 =	sld [smem:$0x3FFC];
	_ =	sdelay $0x3  }
0x96: {  	_ =	strace s5  }
0x97: {  	s5 =	sld [smem:$0x3FFD];
	_ =	sdelay $0x3  }
0x98: {  	_ =	strace s5  }
0x99: {  	_ =	strace $0x8FFFFFFF  }
0x9a: {  	s20 =	sld [smem:$0x3FDB];
	_ =	sdelay $0x1  }
0x9b: {  	s6 =	simm.s32 $_scs_section_size  }
0x9c: {  	s7 =	simm.s32 $_size__tile_overlayer_lowered;
	s8 =	simm.s32 $_tile_overlayer_lowered  }
0x9d: {  	s23 =	simm.s32 $0x1BFF;
	s22 =	sshll.u32 s8, $0x1;
	s5 =	sadd.s32 s6, s20  }
0x9e: {  	s9 =	simm.s32 $0x0;
	s21 =	sshll.u32 s7, $0x1;
	s7 =	sadd.s32 s22, s5  }
0x9f: {  	[timem:s9], [sflag:s23] =	dma.local [hbm:s7], s21  }
0xa0: {  	_ =	swait.ge [sflag:s23], s21  }
0xa1: {  	s6 =	ssub.s32 $0x0, s21;
	[sflag:s23] =	ssyncset.done $0x0  }
0xa2: {  	[sflag:s23] =	ssyncadd.s32 s6;
	_ =	sdelay $0x1  }
0xa3: {  	s24 =	simm.s32 $0x1B8B  }
0xa4: {  	_ =	swait.ge [sflag:s24], $0x1  }
0xa5: {  	[sflag:s24] =	ssyncset.done $0x0  }
0xa6: {  	s25 =	simm.s32 $0x1B8E;
	[sflag:s24] =	ssyncadd.s32 $0xFFFFFFFF  }
0xa7: {  	s26 =	simm.s32 $execute0_lowered;
	[smem:$0x3FD2] =	sst s25  }
0xa8: {  	s6 =	sshll.u32 s26, $0x1;
	_ =	strace $0x80000046;
	[dreg:$0x1] =	wrdreg $0xFFFFFFFF  }
0xa9: {  	s28 =	simm.s32 $_size_execute0_lowered;
	s5 =	sadd.s32 s5, s6;
	[dreg:$0x0] =	wrdreg $0x0  }
0xaa: {  	s6 =	sshll.u32 s28, $0x1;
	[dreg:$0x2] =	wrdreg s5  }
0xab: {  	[dreg:$0x3] =	wrdreg s6  }
0xac: {  	[dreg:$0x4] =	wrdreg $0xC0  }
0xad: {  	_ =	task [dreg:s9], $0x5FFFF  }
0xae: {  	[dreg:$0x1] =	wrdreg $0xFFFFFFFF  }
0xaf: {  	[dreg:$0x0] =	wrdreg $0x60  }
0xb0: {  	[dreg:$0x2] =	wrdreg s2  }
0xb1: {  	[dreg:$0x3] =	wrdreg s19  }
0xb2: {  	[dreg:$0x4] =	wrdreg s4  }
0xb3: {  	[dreg:$0x5] =	wrdreg $0x9  }
0xb4: {  	_ =	task.clear_ibuf [dreg:s9], $0x6FFFF;
	_ =	strace $0x90000046  }
0xb5: {  	s29 =	simm.s32 $0x9;
	_ =	strace $0x80000048  }
0xb6: {  	_ =	swait.ge [sflag:s29], $0x1  }
0xb7: {  	[sflag:s29] =	ssyncadd.s32 $0xFFFFFFFF  }
0xb8: {  	_ =	strace $0x90000048  }
0xb9: {  	_ =	sfence  }
0xba: {  	s30 =	sld [smem:$0x0];
	_ =	sdelay $0x2  }
0xbb: {  	s31 =	sshll.u32 s1, $0xD;
	s1 =	sshrl.u32 s1, $0x2  }
0xbc: {  	s3 =	sand.u32 $0x4000, s31;
	s1 =	sadd.s32 s1, s30  }
0xbd: {  	s0 =	sor.u32 s3, s0;
	s1 =	sshll.u32 s1, $0x11  }
0xbe: {  	s0 =	sor.u32 s1, s0  }
0xbf: {  	s0 =	sadd.s32 $0x8F2B, s0  }
0xc0: {  	[sflag:s0] =	ssyncadd.remote.s32 $0x1  }
0xc1: {  	_ =	sfence.sel $0xFFFF  }
0xc2: {  	[dreg:$0x0] =	wrdreg $0xFFFFFFFF;
	(pc) =	sbr.abs _section_cstart, $3  }
0xc3: {  	[dreg:$0x1] =	wrdreg $0xFFFFFFFF  }
0xc4: {  	_ =	task.clear_ibuf [dreg:s9], $0x2FFFF;
	_ =	strace $0x9FFFFFFF  }
0xc5: {  	(tm) =	ssettm $0x7FFFFFFF  }
tec
execute0_lowered:
.L_overlay_start_1:
0x0: {  	(tag) =	ssettag $0x1  }
0x1: {  	s1 =	srdreg.scid;
	s3 =	rddreg [dreg:$0x1]  }
0x2: {  	s0 =	stileid.u32;
	s5 =	rddreg [dreg:$0x2]  }
0x3: {  	s6 =	simm.s32 $0x0;
	s12 =	simm.s32 $0x1800;
	s13 =	simm.s32 $0x3000  }
0x4: {  	s14 =	simm.s32 $0x5;
	s15 =	simm.s32 $0x1;
	s16 =	simm.s32 $0x4800  }
0x5: {  	s17 =	simm.s32 $0x2;
	s18 =	simm.s32 $0xD800;
	s7 =	sand.u32 $0x1, s1  }
0x6: {  	s19 =	simm.s32 $0x3;
	s2 =	sshll.u32 s0, $0x9;
	s4 =	sshll.u32 s7, $0x8  }
0x7: {  	s20 =	simm.s32 $0x4;
	s21 =	simm.s32 $0x0;
	s4 =	sor.u32 s4, s2  }
.Ltmp0:
0x8: {  	s1 =	rddreg [dreg:$0x0];
	s10 =	sshrl.u32 s4, $0x3;
	(pc) =	sbr.rel .LBB2_1-.Ltmp0, $4  }
0x9: {  	[smem:$0x7FF] =	sst s6;
	s9 =	ssub.s32 $0x2, s7;
	s8 =	smul.u32 $0x300, s10  }
0xa: {  	s2 =	rddreg [dreg:$0x3];
	_ =	strace $0x80000047;
	s11 =	sshrl.u32 s9, $0x1  }
0xb: {  	s11 =	ssub.s32 s9, s11;
	s9 =	sor.u32 $0x2, s10;
	s7 =	sadd.s32 s1, s8  }
0xc: {  	s10 =	sor.u32 $0x3, s10;
	s11 =	smax.u32 s11, $0x1;
	s8 =	sadd.s32 $0x300, s7  }
.LBB2_8:
0xd: {  	s21 =	sadd.s32 $0x1, s21  }
0xe: {  	_ =	swait.ge [sflag:s19], $0x9000;
	p0 =	sne.s32 s21, s11  }
.Ltmp1:
0xf: {  	[sflag:s19] =	ssyncset.done $0x0;
	(pc) =	sbr.rel @!p0 .LBB2_9-.Ltmp1, $4  }
0x10: {  	[sflag:s19] =	ssyncadd.s32 $0xFFFF7000  }
0x11: {  	_ =	swait.ge [sflag:s20], $0x9000  }
0x12: {  	[sflag:s20] =	ssyncset.done $0x0  }
0x13: {  	[sflag:s20] =	ssyncadd.s32 $0xFFFF7000  }
.LBB2_1:
0x14: {  	[tilespmem:s12], [sflag:$0x1] =	stream.linear.gather [hbm4b:s7+s6], $0x1800, $0x38;
	[tilespmem:$0x16800] =	vst v63  }
0x15: {  	_ = 	snop  }
0x16: {  	[tilespmem:s13], [sflag:$0x2] =	stream.linear.gather [hbm4b:s8+s6], $0x1800, $0x38;
	[tilespmem:$0x16800] =	vst v63  }
0x17: {  	_ = 	snop  }
0x18: {  	[tilespmem:s6], [sflag:$0x5] =	stream.linear.gather [hbm4b:s3+s6], $0x1800, $0x38;
	[tilespmem:$0x16800] =	vst v63  }
0x19: {  	_ =	swait.ge [sflag:s14], $0x1800  }
0x1a: {  	[sflag:s14] =	ssyncset.done $0x0  }
0x1b: {  	s22 =	simm.s32 $0x0;
	[sflag:s14] =	ssyncadd.s32 $0xFFFFE800  }
.LBB2_2:
0x1c: {  	_ =	swait.ge [sflag:s15], $0x1800  }
0x1d: {  	p0 =	seq.s32 s22, $0x0;
	[sflag:s15] =	ssyncset.done $0x0  }
0x1e: {  	s23 =	simm.s32 @!p0 $0x3;
	[sflag:s15] =	ssyncadd.s32 $0xFFFFE800  }
0x1f: {  	s24 =	simm.s32 $0x0;
	_ =	swait.ge @!p0 [sflag:s23], $0x9000  }
0x20: {  	s25 =	sand.u32 $0x70, s24;
	s24 =	sand.u32 $0x1C00, s24;
	[sflag:s23] =	ssyncset.done @!p0 $0x0  }
0x21: {  	s25 =	sor.u32 s25, s24;
	[sflag:s23] =	ssyncadd.s32 @!p0 $0xFFFF7000  }
0x22: {  	v0 =	vld [tilespmem:s25+$0x280]  }
0x23: {  	v1 =	vld [tilespmem:s25+$0x1B80]  }
0x24: {  	v2 =	vld [tilespmem:s25+$0x0]  }
0x25: {  	v4 =	vld [tilespmem:s25+$0x80]  }
0x26: {  	v5 =	vld [tilespmem:s25+$0x100]  }
0x27: {  	v8 =	vld [tilespmem:s25+$0x180]  }
0x28: {  	v9 =	vld [tilespmem:s25+$0x200];
	v3 =	vadd.f32 v1, v0  }
0x29: {  	v6 =	vld [tilespmem:s25+$0x1800];
	v10 =	vadd.f32 v1, v2  }
0x2a: {  	v11 =	vadd.f32 v1, v4;
	[tilespmem:s25+$0xC380] =	vst v3  }
0x2b: {  	v12 =	vadd.f32 v1, v5;
	[tilespmem:s25+$0xC100] =	vst v10  }
0x2c: {  	v13 =	vadd.f32 v1, v8;
	[tilespmem:s25+$0xC180] =	vst v11  }
0x2d: {  	v7 =	vld [tilespmem:s25+$0x1880];
	v1 =	vadd.f32 v1, v9;
	[tilespmem:s25+$0xC200] =	vst v12  }
0x2e: {  	v55 =	vadd.f32 v6, v2;
	[tilespmem:s25+$0xC280] =	vst v13  }
0x2f: {  	v54 =	vld [tilespmem:s25+$0x1A80];
	v15 =	vadd.f32 v6, v4;
	[tilespmem:s25+$0xC300] =	vst v1  }
0x30: {  	v56 =	vadd.f32 v6, v8;
	[tilespmem:s25+$0x4800] =	vst v55  }
0x31: {  	v57 =	vadd.f32 v6, v9;
	[tilespmem:s25+$0x4880] =	vst v15  }
0x32: {  	v58 =	vadd.f32 v7, v4;
	[tilespmem:s25+$0x4980] =	vst v56  }
0x33: {  	v59 =	vadd.f32 v7, v9;
	[tilespmem:s25+$0x4A00] =	vst v57  }
0x34: {  	v60 =	vadd.f32 v54, v2;
	[tilespmem:s25+$0x4B80] =	vst v58  }
0x35: {  	v61 =	vadd.f32 v54, v4;
	[tilespmem:s25+$0x6100] =	vst v59  }
0x36: {  	v1 =	vadd.f32 v6, v5;
	[tilespmem:s25+$0x9300] =	vst v60  }
0x37: {  	v62 =	vadd.f32 v54, v5;
	[tilespmem:s25+$0x9380] =	vst v61  }
0x38: {  	v3 =	vld [tilespmem:s25+$0x1900];
	[tilespmem:s25+$0x4900] =	vst v1;
	v1 =	vadd.f32 v6, v0  }
0x39: {  	[tilespmem:s25+$0xA800] =	vst v62;
	v6 =	vadd.f32 v7, v2  }
0x3a: {  	[tilespmem:s25+$0x4A80] =	vst v1;
	v1 =	vadd.f32 v7, v5  }
0x3b: {  	[tilespmem:s25+$0x4B00] =	vst v6;
	v6 =	vadd.f32 v7, v8  }
0x3c: {  	[tilespmem:s25+$0x6000] =	vst v1;
	v1 =	vadd.f32 v7, v0  }
0x3d: {  	[tilespmem:s25+$0x6080] =	vst v6;
	v6 =	vadd.f32 v3, v2  }
0x3e: {  	v52 =	vld [tilespmem:s25+$0x1980];
	v7 =	vadd.f32 v3, v4;
	[tilespmem:s25+$0x6180] =	vst v1  }
0x3f: {  	v1 =	vadd.f32 v3, v5;
	[tilespmem:s25+$0x6200] =	vst v6  }
0x40: {  	v6 =	vadd.f32 v3, v8;
	[tilespmem:s25+$0x6280] =	vst v7  }
0x41: {  	v7 =	vadd.f32 v3, v9;
	[tilespmem:s25+$0x6300] =	vst v1  }
0x42: {  	v1 =	vadd.f32 v3, v0;
	[tilespmem:s25+$0x6380] =	vst v6  }
0x43: {  	v3 =	vadd.f32 v52, v2;
	[tilespmem:s25+$0x7800] =	vst v7  }
0x44: {  	v53 =	vld [tilespmem:s25+$0x1A00];
	v6 =	vadd.f32 v52, v4;
	[tilespmem:s25+$0x7880] =	vst v1  }
0x45: {  	v1 =	vadd.f32 v52, v5;
	[tilespmem:s25+$0x7900] =	vst v3  }
0x46: {  	v3 =	vadd.f32 v52, v8;
	[tilespmem:s25+$0x7980] =	vst v6  }
0x47: {  	v6 =	vadd.f32 v52, v9;
	[tilespmem:s25+$0x7A00] =	vst v1  }
0x48: {  	v1 =	vadd.f32 v52, v0;
	[tilespmem:s25+$0x7A80] =	vst v3  }
0x49: {  	v14 =	vld [tilespmem:s25+$0x1B00];
	v3 =	vadd.f32 v53, v2;
	[tilespmem:s25+$0x7B00] =	vst v6  }
0x4a: {  	v6 =	vadd.f32 v53, v4;
	[tilespmem:s25+$0x7B80] =	vst v1  }
0x4b: {  	v1 =	vadd.f32 v53, v5;
	[tilespmem:s25+$0x9000] =	vst v3  }
0x4c: {  	v63 =	vadd.f32 v54, v8;
	v3 =	vadd.f32 v53, v8;
	[tilespmem:s25+$0x9080] =	vst v6  }
0x4d: {  	v7 =	vadd.f32 v54, v9;
	v6 =	vadd.f32 v53, v9;
	[tilespmem:s25+$0x9100] =	vst v1  }
0x4e: {  	s26 =	simm.s32 $0x10;
	s28 =	simm.s32 $0x80;
	v5 =	vadd.f32 v14, v5;
	v1 =	vadd.f32 v53, v0;
	[tilespmem:s25+$0x9180] =	vst v3  }
0x4f: {  	s29 =	sand.u32 $0x70, s26;
	s30 =	sand.u32 $0x1C00, s28;
	[tilespmem:s25+$0x9200] =	vst v6;
	v3 =	vadd.f32 v54, v0;
	v6 =	vadd.f32 v14, v2  }
0x50: {  	s24 =	sshll.u32 s22, $0x4;
	s30 =	sor.u32 s29, s30;
	[tilespmem:s25+$0xA880] =	vst v63;
	v2 =	vadd.f32 v14, v4;
	v4 =	vadd.f32 v14, v9  }
0x51: {  	s29 =	simm.s32 $0x20;
	s26 =	sadd.s32 s4, s24;
	s23 =	sshll.u32 s22, $0x1;
	v0 =	vadd.f32 v14, v0;
	[tilespmem:s25+$0x9280] =	vst v1;
	v1 =	vadd.f32 v14, v8  }
.LBB2_3:
0x52: {  	p1 =	sne.s32 s29, $0x2F0;
	v8 =	vld [tilespmem:s30+$0x280];
	[tilespmem:s25+$0xA900] =	vst v7  }
0x53: {  	v7 =	vld [tilespmem:s30+$0x1B80];
	[tilespmem:s25+$0xA980] =	vst v3  }
0x54: {  	v9 =	vld [tilespmem:s30+$0x0];
	[tilespmem:s25+$0xAA00] =	vst v6  }
0x55: {  	v10 =	vld [tilespmem:s30+$0x80];
	[tilespmem:s25+$0xAA80] =	vst v2  }
0x56: {  	v11 =	vld [tilespmem:s30+$0x100];
	[tilespmem:s25+$0xAB00] =	vst v5  }
0x57: {  	v12 =	vld [tilespmem:s30+$0x180];
	[tilespmem:s25+$0xAB80] =	vst v1  }
0x58: {  	v13 =	vld [tilespmem:s30+$0x200];
	v1 =	vadd.f32 v7, v8;
	[tilespmem:s25+$0xC000] =	vst v4  }
0x59: {  	v2 =	vld [tilespmem:s30+$0x1800];
	v3 =	vadd.f32 v7, v9;
	[tilespmem:s25+$0xC080] =	vst v0;
	s25 =	smov.u32 s30  }
0x5a: {  	v0 =	vld [tilespmem:s25+$0x1880];
	v4 =	vadd.f32 v7, v10;
	[tilespmem:s25+$0xC380] =	vst v1  }
0x5b: {  	v1 =	vld [tilespmem:s25+$0x1900];
	[tilespmem:s25+$0xC100] =	vst v3;
	v3 =	vadd.f32 v7, v11  }
0x5c: {  	v5 =	vld [tilespmem:s25+$0x1980];
	[tilespmem:s25+$0xC180] =	vst v4;
	v4 =	vadd.f32 v7, v12  }
0x5d: {  	v6 =	vld [tilespmem:s25+$0x1A00];
	[tilespmem:s25+$0xC200] =	vst v3;
	v3 =	vadd.f32 v7, v13  }
0x5e: {  	v7 =	vadd.f32 v2, v9;
	v14 =	vadd.f32 v2, v10;
	v15 =	vld [tilespmem:s25+$0x1A80];
	[tilespmem:s25+$0xC280] =	vst v4  }
0x5f: {  	v4 =	vadd.f32 v2, v11;
	v16 =	vadd.f32 v2, v12;
	v17 =	vld [tilespmem:s25+$0x1B00];
	[tilespmem:s25+$0xC300] =	vst v3  }
0x60: {  	v3 =	vadd.f32 v2, v13;
	v2 =	vadd.f32 v2, v8;
	[tilespmem:s25+$0x4800] =	vst v7  }
0x61: {  	v7 =	vadd.f32 v0, v9;
	[tilespmem:s25+$0x4880] =	vst v14;
	v14 =	vadd.f32 v0, v10  }
0x62: {  	v18 =	vadd.f32 v0, v12;
	[tilespmem:s25+$0x4900] =	vst v4;
	v4 =	vadd.f32 v0, v11  }
0x63: {  	[tilespmem:s25+$0x4980] =	vst v16;
	v16 =	vadd.f32 v0, v13;
	v0 =	vadd.f32 v0, v8  }
0x64: {  	v19 =	vadd.f32 v1, v10;
	[tilespmem:s25+$0x4A00] =	vst v3;
	v3 =	vadd.f32 v1, v9  }
0x65: {  	v20 =	vadd.f32 v1, v12;
	[tilespmem:s25+$0x4A80] =	vst v2;
	v2 =	vadd.f32 v1, v11  }
0x66: {  	v21 =	vadd.f32 v1, v13;
	v1 =	vadd.f32 v1, v8;
	[tilespmem:s25+$0x4B00] =	vst v7  }
0x67: {  	v22 =	vadd.f32 v5, v10;
	[tilespmem:s25+$0x4B80] =	vst v14;
	v14 =	vadd.f32 v5, v9  }
0x68: {  	v23 =	vadd.f32 v5, v11;
	v24 =	vadd.f32 v5, v12;
	[tilespmem:s25+$0x6000] =	vst v4  }
0x69: {  	v25 =	vadd.f32 v5, v8;
	[tilespmem:s25+$0x6080] =	vst v18;
	v18 =	vadd.f32 v5, v13  }
0x6a: {  	v26 =	vadd.f32 v6, v10;
	[tilespmem:s25+$0x6100] =	vst v16;
	v16 =	vadd.f32 v6, v9  }
0x6b: {  	v27 =	vadd.f32 v6, v11;
	v28 =	vadd.f32 v6, v12;
	[tilespmem:s25+$0x6180] =	vst v0  }
0x6c: {  	v29 =	vadd.f32 v6, v13;
	v30 =	vadd.f32 v6, v8;
	[tilespmem:s25+$0x6200] =	vst v3  }
0x6d: {  	v31 =	vadd.f32 v15, v10;
	[tilespmem:s25+$0x6280] =	vst v19;
	v19 =	vadd.f32 v15, v9  }
0x6e: {  	v32 =	vadd.f32 v15, v11;
	v33 =	vadd.f32 v15, v12;
	[tilespmem:s25+$0x6300] =	vst v2  }
0x6f: {  	v7 =	vadd.f32 v15, v13;
	v3 =	vadd.f32 v15, v8;
	[tilespmem:s25+$0x6380] =	vst v20  }
0x70: {  	v6 =	vadd.f32 v17, v9;
	v2 =	vadd.f32 v17, v10;
	[tilespmem:s25+$0x7800] =	vst v21  }
0x71: {  	v5 =	vadd.f32 v17, v11;
	[tilespmem:s25+$0x7880] =	vst v1;
	v1 =	vadd.f32 v17, v12  }
0x72: {  	v4 =	vadd.f32 v17, v13;
	v0 =	vadd.f32 v17, v8;
	[tilespmem:s25+$0x7900] =	vst v14  }
0x73: {  	[tilespmem:s25+$0x7980] =	vst v22  }
0x74: {  	[tilespmem:s25+$0x7A00] =	vst v23  }
0x75: {  	[tilespmem:s25+$0x7A80] =	vst v24  }
0x76: {  	[tilespmem:s25+$0x7B00] =	vst v18  }
0x77: {  	[tilespmem:s25+$0x7B80] =	vst v25  }
0x78: {  	[tilespmem:s25+$0x9000] =	vst v16  }
0x79: {  	[tilespmem:s25+$0x9080] =	vst v26  }
0x7a: {  	[tilespmem:s25+$0x9100] =	vst v27  }
0x7b: {  	[tilespmem:s25+$0x9180] =	vst v28  }
0x7c: {  	[tilespmem:s25+$0x9200] =	vst v29  }
.Ltmp2:
0x7d: {  	[tilespmem:s25+$0x9280] =	vst v30;
	(pc) =	sbr.rel @p1 .LBB2_3-.Ltmp2, $4  }
0x7e: {  	[tilespmem:s25+$0x9300] =	vst v19  }
0x7f: {  	s28 =	sadd.s32 $0x80, s28;
	[tilespmem:s25+$0x9380] =	vst v31  }
0x80: {  	s31 =	sand.u32 $0x1C00, s28;
	s30 =	sand.u32 $0x70, s29;
	[tilespmem:s25+$0xA800] =	vst v32  }
0x81: {  	s29 =	sadd.s32 $0x10, s29;
	s30 =	sor.u32 s30, s31;
	[tilespmem:s25+$0xA880] =	vst v33  }
0x82: {  	v8 =	vld [tilespmem:s30+$0x280];
	[tilespmem:s25+$0xA900] =	vst v7  }
0x83: {  	v7 =	vld [tilespmem:s30+$0x1B80];
	[tilespmem:s25+$0xA980] =	vst v3  }
0x84: {  	v3 =	vld [tilespmem:s30+$0x0];
	[tilespmem:s25+$0xAA00] =	vst v6  }
0x85: {  	v6 =	vld [tilespmem:s30+$0x80];
	[tilespmem:s25+$0xAA80] =	vst v2  }
0x86: {  	v2 =	vld [tilespmem:s30+$0x100];
	[tilespmem:s25+$0xAB00] =	vst v5  }
0x87: {  	v5 =	vld [tilespmem:s30+$0x180];
	[tilespmem:s25+$0xAB80] =	vst v1  }
0x88: {  	v1 =	vld [tilespmem:s30+$0x200];
	[tilespmem:s25+$0xC000] =	vst v4;
	v9 =	vadd.f32 v7, v8  }
0x89: {  	v4 =	vld [tilespmem:s30+$0x1800];
	[tilespmem:s25+$0xC080] =	vst v0;
	v10 =	vadd.f32 v7, v3  }
0x8a: {  	[tilespmem:s30+$0xC380] =	vst v9;
	v11 =	vadd.f32 v7, v6  }
0x8b: {  	[tilespmem:s30+$0xC100] =	vst v10;
	v12 =	vadd.f32 v7, v2  }
0x8c: {  	[tilespmem:s30+$0xC180] =	vst v11;
	v13 =	vadd.f32 v7, v5  }
0x8d: {  	[tilespmem:s30+$0xC200] =	vst v12;
	v7 =	vadd.f32 v7, v1  }
0x8e: {  	[tilespmem:s30+$0xC280] =	vst v13;
	v40 =	vadd.f32 v4, v3  }
0x8f: {  	v0 =	vld [tilespmem:s30+$0x1880];
	v15 =	vadd.f32 v4, v6;
	[tilespmem:s30+$0xC300] =	vst v7  }
0x90: {  	v41 =	vadd.f32 v4, v5;
	[tilespmem:s30+$0x4800] =	vst v40  }
0x91: {  	v42 =	vadd.f32 v4, v1;
	[tilespmem:s30+$0x4880] =	vst v15  }
0x92: {  	v7 =	vadd.f32 v4, v2;
	[tilespmem:s30+$0x4980] =	vst v41  }
0x93: {  	v4 =	vadd.f32 v4, v8;
	[tilespmem:s30+$0x4A00] =	vst v42  }
0x94: {  	v43 =	vadd.f32 v0, v6;
	[tilespmem:s30+$0x4900] =	vst v7  }
0x95: {  	v36 =	vld [tilespmem:s30+$0x1900];
	v44 =	vadd.f32 v0, v1;
	[tilespmem:s30+$0x4A80] =	vst v4  }
0x96: {  	v7 =	vadd.f32 v0, v3;
	[tilespmem:s30+$0x4B80] =	vst v43  }
0x97: {  	v4 =	vadd.f32 v0, v2;
	[tilespmem:s30+$0x6100] =	vst v44  }
0x98: {  	[tilespmem:s30+$0x4B00] =	vst v7;
	v7 =	vadd.f32 v0, v5  }
0x99: {  	[tilespmem:s30+$0x6000] =	vst v4;
	v0 =	vadd.f32 v0, v8  }
0x9a: {  	v4 =	vadd.f32 v36, v3;
	[tilespmem:s30+$0x6080] =	vst v7  }
0x9b: {  	v37 =	vld [tilespmem:s30+$0x1980];
	v7 =	vadd.f32 v36, v6;
	[tilespmem:s30+$0x6180] =	vst v0  }
0x9c: {  	v0 =	vadd.f32 v36, v2;
	[tilespmem:s30+$0x6200] =	vst v4  }
0x9d: {  	v4 =	vadd.f32 v36, v5;
	[tilespmem:s30+$0x6280] =	vst v7  }
0x9e: {  	v7 =	vadd.f32 v36, v1;
	[tilespmem:s30+$0x6300] =	vst v0  }
0x9f: {  	v0 =	vadd.f32 v36, v8;
	[tilespmem:s30+$0x6380] =	vst v4  }
0xa0: {  	v4 =	vadd.f32 v37, v3;
	[tilespmem:s30+$0x7800] =	vst v7  }
0xa1: {  	v38 =	vld [tilespmem:s30+$0x1A00];
	v7 =	vadd.f32 v37, v6;
	[tilespmem:s30+$0x7880] =	vst v0  }
0xa2: {  	v0 =	vadd.f32 v37, v2;
	[tilespmem:s30+$0x7900] =	vst v4  }
0xa3: {  	v4 =	vadd.f32 v37, v5;
	[tilespmem:s30+$0x7980] =	vst v7  }
0xa4: {  	v7 =	vadd.f32 v37, v1;
	[tilespmem:s30+$0x7A00] =	vst v0  }
0xa5: {  	v0 =	vadd.f32 v37, v8;
	[tilespmem:s30+$0x7A80] =	vst v4  }
0xa6: {  	v4 =	vadd.f32 v38, v3;
	[tilespmem:s30+$0x7B00] =	vst v7  }
0xa7: {  	v39 =	vld [tilespmem:s30+$0x1A80];
	v7 =	vadd.f32 v38, v6;
	[tilespmem:s30+$0x7B80] =	vst v0  }
0xa8: {  	v14 =	vld [tilespmem:s30+$0x1B00];
	v0 =	vadd.f32 v38, v2;
	[tilespmem:s30+$0x9000] =	vst v4  }
0xa9: {  	v4 =	vadd.f32 v38, v5;
	[tilespmem:s30+$0x9080] =	vst v7  }
0xaa: {  	v7 =	vadd.f32 v38, v1;
	[tilespmem:s30+$0x9100] =	vst v0  }
0xab: {  	v0 =	vadd.f32 v38, v8;
	[tilespmem:s30+$0x9180] =	vst v4  }
0xac: {  	v4 =	vadd.f32 v39, v3;
	[tilespmem:s30+$0x9200] =	vst v7  }
0xad: {  	v3 =	vadd.f32 v14, v3;
	[tilespmem:s30+$0x9280] =	vst v0  }
0xae: {  	v7 =	vadd.f32 v39, v6;
	[tilespmem:s30+$0x9300] =	vst v4  }
0xaf: {  	v0 =	vadd.f32 v39, v2;
	[tilespmem:s30+$0xAA00] =	vst v3  }
0xb0: {  	v4 =	vadd.f32 v39, v5;
	[tilespmem:s30+$0x9380] =	vst v7  }
0xb1: {  	v7 =	vadd.f32 v39, v1;
	[tilespmem:s30+$0xA800] =	vst v0  }
0xb2: {  	v0 =	vadd.f32 v39, v8;
	[tilespmem:s30+$0xA880] =	vst v4  }
0xb3: {  	v4 =	vadd.f32 v14, v6;
	[tilespmem:s30+$0xA900] =	vst v7  }
0xb4: {  	s26 =	smul.u32 $0x6, s26;
	v1 =	vadd.f32 v14, v1;
	[tilespmem:s30+$0xA980] =	vst v0  }
0xb5: {  	v0 =	vadd.f32 v14, v2;
	[tilespmem:s30+$0xAA80] =	vst v4  }
0xb6: {  	s25 =	sshrl.u32 s26, $0x3;
	v2 =	vadd.f32 v14, v5;
	[tilespmem:s30+$0xC000] =	vst v1  }
0xb7: {  	p1 =	seq.s32 s22, $0xF;
	s25 =	smul.u32 $0x300, s25;
	[tilespmem:s30+$0xAB00] =	vst v0;
	v0 =	vadd.f32 v14, v8  }
0xb8: {  	s26 =	sadd.s32 @!p1 s23, s9;
	[tilespmem:s30+$0xAB80] =	vst v2  }
0xb9: {  	s26 =	smul.u32 @!p1 $0x300, s26;
	s25 =	sadd.s32 s5, s25;
	[tilespmem:s30+$0xC080] =	vst v0  }
0xba: {  	[hbm4b:s25+s6] =	stream.linear.scatter [tilespmem:s16], [sflag:$0x3], $0x9000, $0x38;
	[tilespmem:$0x16800] =	vst v63  }
0xbb: {  	s28 =	simm.s32 @!p1 $0x1800;
	s25 =	sadd.s32 @!p1 s1, s26;
	s26 =	simm.s32 @!p1 $0x0  }
0xbc: {  	[tilespmem:s28], [sflag:$0x1] =	stream.linear.gather @!p1 [hbm4b:s25+s26], $0x1800, $0x38;
	[tilespmem:$0x16800] =	vst v63  }
0xbd: {  	_ =	swait.ge [sflag:s17], $0x1800  }
0xbe: {  	[sflag:s17] =	ssyncset.done $0x0  }
0xbf: {  	s25 =	simm.s32 @!p0 $0x4;
	[sflag:s17] =	ssyncadd.s32 $0xFFFFE800  }
0xc0: {  	s31 =	simm.s32 $0x0;
	_ =	swait.ge @!p0 [sflag:s25], $0x9000  }
0xc1: {  	s28 =	sand.u32 $0x70, s31;
	s26 =	sand.u32 $0x1C00, s31;
	[sflag:s25] =	ssyncset.done @!p0 $0x0  }
0xc2: {  	[sflag:s25] =	ssyncadd.s32 @!p0 $0xFFFF7000;
	s25 =	sor.u32 s28, s26  }
0xc3: {  	v0 =	vld [tilespmem:s25+$0x280]  }
0xc4: {  	v1 =	vld [tilespmem:s25+$0x3380]  }
0xc5: {  	v2 =	vld [tilespmem:s25+$0x0]  }
0xc6: {  	v3 =	vld [tilespmem:s25+$0x80]  }
0xc7: {  	v5 =	vld [tilespmem:s25+$0x100]  }
0xc8: {  	v8 =	vld [tilespmem:s25+$0x180]  }
0xc9: {  	v45 =	vld [tilespmem:s25+$0x200];
	v4 =	vadd.f32 v1, v0  }
0xca: {  	v6 =	vld [tilespmem:s25+$0x3000];
	v46 =	vadd.f32 v1, v2  }
0xcb: {  	v47 =	vadd.f32 v1, v3;
	[tilespmem:s25+$0x15380] =	vst v4  }
0xcc: {  	v49 =	vadd.f32 v1, v5;
	[tilespmem:s25+$0x15100] =	vst v46  }
0xcd: {  	v51 =	vadd.f32 v1, v8;
	[tilespmem:s25+$0x15180] =	vst v47  }
0xce: {  	v7 =	vld [tilespmem:s25+$0x3080];
	v1 =	vadd.f32 v1, v45;
	[tilespmem:s25+$0x15200] =	vst v49  }
0xcf: {  	v53 =	vadd.f32 v6, v2;
	[tilespmem:s25+$0x15280] =	vst v51  }
0xd0: {  	v52 =	vld [tilespmem:s25+$0x3280];
	v55 =	vadd.f32 v6, v3;
	[tilespmem:s25+$0x15300] =	vst v1  }
0xd1: {  	v56 =	vadd.f32 v6, v8;
	[tilespmem:s25+$0xD800] =	vst v53  }
0xd2: {  	v57 =	vadd.f32 v6, v45;
	[tilespmem:s25+$0xD880] =	vst v55  }
0xd3: {  	v58 =	vadd.f32 v7, v3;
	[tilespmem:s25+$0xD980] =	vst v56  }
0xd4: {  	v59 =	vadd.f32 v7, v45;
	[tilespmem:s25+$0xDA00] =	vst v57  }
0xd5: {  	v60 =	vadd.f32 v52, v2;
	[tilespmem:s25+$0xDB80] =	vst v58  }
0xd6: {  	v61 =	vadd.f32 v52, v3;
	[tilespmem:s25+$0xF100] =	vst v59  }
0xd7: {  	v1 =	vadd.f32 v6, v5;
	[tilespmem:s25+$0x12300] =	vst v60  }
0xd8: {  	v62 =	vadd.f32 v52, v5;
	[tilespmem:s25+$0x12380] =	vst v61  }
0xd9: {  	v4 =	vld [tilespmem:s25+$0x3100];
	[tilespmem:s25+$0xD900] =	vst v1;
	v1 =	vadd.f32 v6, v0  }
0xda: {  	[tilespmem:s25+$0x13800] =	vst v62;
	v6 =	vadd.f32 v7, v2  }
0xdb: {  	[tilespmem:s25+$0xDA80] =	vst v1;
	v1 =	vadd.f32 v7, v5  }
0xdc: {  	[tilespmem:s25+$0xDB00] =	vst v6;
	v6 =	vadd.f32 v7, v8  }
0xdd: {  	[tilespmem:s25+$0xF000] =	vst v1;
	v1 =	vadd.f32 v7, v0  }
0xde: {  	[tilespmem:s25+$0xF080] =	vst v6;
	v6 =	vadd.f32 v4, v2  }
0xdf: {  	v48 =	vld [tilespmem:s25+$0x3180];
	v7 =	vadd.f32 v4, v3;
	[tilespmem:s25+$0xF180] =	vst v1  }
0xe0: {  	v1 =	vadd.f32 v4, v5;
	[tilespmem:s25+$0xF200] =	vst v6  }
0xe1: {  	v6 =	vadd.f32 v4, v8;
	[tilespmem:s25+$0xF280] =	vst v7  }
0xe2: {  	v7 =	vadd.f32 v4, v45;
	[tilespmem:s25+$0xF300] =	vst v1  }
0xe3: {  	v1 =	vadd.f32 v4, v0;
	[tilespmem:s25+$0xF380] =	vst v6  }
0xe4: {  	v4 =	vadd.f32 v48, v2;
	[tilespmem:s25+$0x10800] =	vst v7  }
0xe5: {  	v50 =	vld [tilespmem:s25+$0x3200];
	v6 =	vadd.f32 v48, v3;
	[tilespmem:s25+$0x10880] =	vst v1  }
0xe6: {  	v1 =	vadd.f32 v48, v5;
	[tilespmem:s25+$0x10900] =	vst v4  }
0xe7: {  	v4 =	vadd.f32 v48, v8;
	[tilespmem:s25+$0x10980] =	vst v6  }
0xe8: {  	v6 =	vadd.f32 v48, v45;
	[tilespmem:s25+$0x10A00] =	vst v1  }
0xe9: {  	v1 =	vadd.f32 v48, v0;
	[tilespmem:s25+$0x10A80] =	vst v4  }
0xea: {  	v54 =	vld [tilespmem:s25+$0x3300];
	v4 =	vadd.f32 v50, v2;
	[tilespmem:s25+$0x10B00] =	vst v6  }
0xeb: {  	v6 =	vadd.f32 v50, v3;
	[tilespmem:s25+$0x10B80] =	vst v1  }
0xec: {  	v1 =	vadd.f32 v50, v5;
	[tilespmem:s25+$0x12000] =	vst v4  }
0xed: {  	v63 =	vadd.f32 v52, v8;
	v4 =	vadd.f32 v50, v8;
	[tilespmem:s25+$0x12080] =	vst v6  }
0xee: {  	v7 =	vadd.f32 v52, v45;
	v6 =	vadd.f32 v50, v45;
	[tilespmem:s25+$0x12100] =	vst v1  }
0xef: {  	v5 =	vadd.f32 v54, v5;
	v1 =	vadd.f32 v50, v0;
	[tilespmem:s25+$0x12180] =	vst v4  }
0xf0: {  	s28 =	simm.s32 $0x10;
	s26 =	simm.s32 $0x80;
	[tilespmem:s25+$0x12200] =	vst v6;
	v4 =	vadd.f32 v52, v0;
	v6 =	vadd.f32 v54, v2  }
0xf1: {  	s24 =	sadd.s32 s24, s4;
	s28 =	sand.u32 $0x70, s28;
	s29 =	sand.u32 $0x1C00, s26;
	[tilespmem:s25+$0x13880] =	vst v63;
	v2 =	vadd.f32 v54, v3;
	v3 =	vadd.f32 v54, v45  }
0xf2: {  	s24 =	sadd.s32 $0x8, s24;
	s29 =	sor.u32 s28, s29;
	s28 =	simm.s32 $0x20;
	v0 =	vadd.f32 v54, v0;
	[tilespmem:s25+$0x12280] =	vst v1;
	v1 =	vadd.f32 v54, v8  }
.LBB2_5:
0xf3: {  	p0 =	sne.s32 s28, $0x2F0;
	v8 =	vld [tilespmem:s29+$0x280];
	[tilespmem:s25+$0x13900] =	vst v7  }
0xf4: {  	v7 =	vld [tilespmem:s29+$0x3380];
	[tilespmem:s25+$0x13980] =	vst v4  }
0xf5: {  	v9 =	vld [tilespmem:s29+$0x0];
	[tilespmem:s25+$0x13A00] =	vst v6  }
0xf6: {  	v10 =	vld [tilespmem:s29+$0x80];
	[tilespmem:s25+$0x13A80] =	vst v2  }
0xf7: {  	v11 =	vld [tilespmem:s29+$0x100];
	[tilespmem:s25+$0x13B00] =	vst v5  }
0xf8: {  	v12 =	vld [tilespmem:s29+$0x180];
	[tilespmem:s25+$0x13B80] =	vst v1  }
0xf9: {  	v13 =	vld [tilespmem:s29+$0x200];
	v1 =	vadd.f32 v7, v8;
	[tilespmem:s25+$0x15000] =	vst v3  }
0xfa: {  	v2 =	vld [tilespmem:s29+$0x3000];
	v3 =	vadd.f32 v7, v9;
	[tilespmem:s25+$0x15080] =	vst v0;
	s25 =	smov.u32 s29  }
0xfb: {  	v0 =	vld [tilespmem:s25+$0x3080];
	v4 =	vadd.f32 v7, v10;
	[tilespmem:s25+$0x15380] =	vst v1  }
0xfc: {  	v1 =	vld [tilespmem:s25+$0x3100];
	[tilespmem:s25+$0x15100] =	vst v3;
	v3 =	vadd.f32 v7, v11  }
0xfd: {  	v5 =	vld [tilespmem:s25+$0x3180];
	[tilespmem:s25+$0x15180] =	vst v4;
	v4 =	vadd.f32 v7, v12  }
0xfe: {  	v6 =	vld [tilespmem:s25+$0x3200];
	[tilespmem:s25+$0x15200] =	vst v3;
	v3 =	vadd.f32 v7, v13  }
0xff: {  	v7 =	vadd.f32 v2, v9;
	v14 =	vadd.f32 v2, v10;
	v15 =	vld [tilespmem:s25+$0x3280];
	[tilespmem:s25+$0x15280] =	vst v4  }
0x100: {  	v4 =	vadd.f32 v2, v11;
	v16 =	vadd.f32 v2, v12;
	v17 =	vld [tilespmem:s25+$0x3300];
	[tilespmem:s25+$0x15300] =	vst v3  }
0x101: {  	v3 =	vadd.f32 v2, v13;
	v2 =	vadd.f32 v2, v8;
	[tilespmem:s25+$0xD800] =	vst v7  }
0x102: {  	v7 =	vadd.f32 v0, v9;
	[tilespmem:s25+$0xD880] =	vst v14;
	v14 =	vadd.f32 v0, v10  }
0x103: {  	v18 =	vadd.f32 v0, v12;
	[tilespmem:s25+$0xD900] =	vst v4;
	v4 =	vadd.f32 v0, v11  }
0x104: {  	[tilespmem:s25+$0xD980] =	vst v16;
	v16 =	vadd.f32 v0, v13;
	v0 =	vadd.f32 v0, v8  }
0x105: {  	v19 =	vadd.f32 v1, v10;
	[tilespmem:s25+$0xDA00] =	vst v3;
	v3 =	vadd.f32 v1, v9  }
0x106: {  	v20 =	vadd.f32 v1, v12;
	[tilespmem:s25+$0xDA80] =	vst v2;
	v2 =	vadd.f32 v1, v11  }
0x107: {  	v21 =	vadd.f32 v1, v13;
	v1 =	vadd.f32 v1, v8;
	[tilespmem:s25+$0xDB00] =	vst v7  }
0x108: {  	v22 =	vadd.f32 v5, v10;
	[tilespmem:s25+$0xDB80] =	vst v14;
	v14 =	vadd.f32 v5, v9  }
0x109: {  	v23 =	vadd.f32 v5, v11;
	v24 =	vadd.f32 v5, v12;
	[tilespmem:s25+$0xF000] =	vst v4  }
0x10a: {  	v25 =	vadd.f32 v5, v8;
	[tilespmem:s25+$0xF080] =	vst v18;
	v18 =	vadd.f32 v5, v13  }
0x10b: {  	v26 =	vadd.f32 v6, v10;
	[tilespmem:s25+$0xF100] =	vst v16;
	v16 =	vadd.f32 v6, v9  }
0x10c: {  	v27 =	vadd.f32 v6, v11;
	v28 =	vadd.f32 v6, v12;
	[tilespmem:s25+$0xF180] =	vst v0  }
0x10d: {  	v29 =	vadd.f32 v6, v13;
	v30 =	vadd.f32 v6, v8;
	[tilespmem:s25+$0xF200] =	vst v3  }
0x10e: {  	v31 =	vadd.f32 v15, v10;
	[tilespmem:s25+$0xF280] =	vst v19;
	v19 =	vadd.f32 v15, v9  }
0x10f: {  	v32 =	vadd.f32 v15, v11;
	v33 =	vadd.f32 v15, v12;
	[tilespmem:s25+$0xF300] =	vst v2  }
0x110: {  	v7 =	vadd.f32 v15, v13;
	v4 =	vadd.f32 v15, v8;
	[tilespmem:s25+$0xF380] =	vst v20  }
0x111: {  	v6 =	vadd.f32 v17, v9;
	v2 =	vadd.f32 v17, v10;
	[tilespmem:s25+$0x10800] =	vst v21  }
0x112: {  	v5 =	vadd.f32 v17, v11;
	[tilespmem:s25+$0x10880] =	vst v1;
	v1 =	vadd.f32 v17, v12  }
0x113: {  	v0 =	vadd.f32 v17, v8;
	v3 =	vadd.f32 v17, v13;
	[tilespmem:s25+$0x10900] =	vst v14  }
0x114: {  	[tilespmem:s25+$0x10980] =	vst v22  }
0x115: {  	[tilespmem:s25+$0x10A00] =	vst v23  }
0x116: {  	[tilespmem:s25+$0x10A80] =	vst v24  }
0x117: {  	[tilespmem:s25+$0x10B00] =	vst v18  }
0x118: {  	[tilespmem:s25+$0x10B80] =	vst v25  }
0x119: {  	[tilespmem:s25+$0x12000] =	vst v16  }
0x11a: {  	[tilespmem:s25+$0x12080] =	vst v26  }
0x11b: {  	[tilespmem:s25+$0x12100] =	vst v27  }
0x11c: {  	[tilespmem:s25+$0x12180] =	vst v28  }
0x11d: {  	[tilespmem:s25+$0x12200] =	vst v29  }
.Ltmp3:
0x11e: {  	[tilespmem:s25+$0x12280] =	vst v30;
	(pc) =	sbr.rel @p0 .LBB2_5-.Ltmp3, $4  }
0x11f: {  	[tilespmem:s25+$0x12300] =	vst v19  }
0x120: {  	s26 =	sadd.s32 $0x80, s26;
	[tilespmem:s25+$0x12380] =	vst v31  }
0x121: {  	s30 =	sand.u32 $0x1C00, s26;
	s29 =	sand.u32 $0x70, s28;
	[tilespmem:s25+$0x13800] =	vst v32  }
0x122: {  	s28 =	sadd.s32 $0x10, s28;
	s29 =	sor.u32 s29, s30;
	[tilespmem:s25+$0x13880] =	vst v33  }
0x123: {  	v8 =	vld [tilespmem:s29+$0x280];
	[tilespmem:s25+$0x13900] =	vst v7  }
0x124: {  	v7 =	vld [tilespmem:s29+$0x3380];
	[tilespmem:s25+$0x13980] =	vst v4  }
0x125: {  	v4 =	vld [tilespmem:s29+$0x0];
	[tilespmem:s25+$0x13A00] =	vst v6  }
0x126: {  	v6 =	vld [tilespmem:s29+$0x80];
	[tilespmem:s25+$0x13A80] =	vst v2  }
0x127: {  	v2 =	vld [tilespmem:s29+$0x100];
	[tilespmem:s25+$0x13B00] =	vst v5  }
0x128: {  	v5 =	vld [tilespmem:s29+$0x180];
	[tilespmem:s25+$0x13B80] =	vst v1  }
0x129: {  	v1 =	vld [tilespmem:s29+$0x200];
	[tilespmem:s25+$0x15000] =	vst v3;
	v9 =	vadd.f32 v7, v8  }
0x12a: {  	v3 =	vld [tilespmem:s29+$0x3000];
	[tilespmem:s25+$0x15080] =	vst v0;
	v10 =	vadd.f32 v7, v4  }
0x12b: {  	[tilespmem:s29+$0x15380] =	vst v9;
	v11 =	vadd.f32 v7, v6  }
0x12c: {  	[tilespmem:s29+$0x15100] =	vst v10;
	v12 =	vadd.f32 v7, v2  }
0x12d: {  	[tilespmem:s29+$0x15180] =	vst v11;
	v13 =	vadd.f32 v7, v5  }
0x12e: {  	[tilespmem:s29+$0x15200] =	vst v12;
	v7 =	vadd.f32 v7, v1  }
0x12f: {  	[tilespmem:s29+$0x15280] =	vst v13;
	v26 =	vadd.f32 v3, v4  }
0x130: {  	v0 =	vld [tilespmem:s29+$0x3080];
	v15 =	vadd.f32 v3, v6;
	[tilespmem:s29+$0x15300] =	vst v7  }
0x131: {  	v27 =	vadd.f32 v3, v2;
	[tilespmem:s29+$0xD800] =	vst v26  }
0x132: {  	v28 =	vadd.f32 v3, v5;
	[tilespmem:s29+$0xD880] =	vst v15  }
0x133: {  	v29 =	vadd.f32 v3, v1;
	[tilespmem:s29+$0xD900] =	vst v27  }
0x134: {  	v3 =	vadd.f32 v3, v8;
	[tilespmem:s29+$0xD980] =	vst v28  }
0x135: {  	v30 =	vadd.f32 v0, v4;
	[tilespmem:s29+$0xDA00] =	vst v29  }
0x136: {  	v22 =	vld [tilespmem:s29+$0x3100];
	v31 =	vadd.f32 v0, v6;
	[tilespmem:s29+$0xDA80] =	vst v3  }
0x137: {  	v32 =	vadd.f32 v0, v2;
	[tilespmem:s29+$0xDB00] =	vst v30  }
0x138: {  	v33 =	vadd.f32 v0, v5;
	[tilespmem:s29+$0xDB80] =	vst v31  }
0x139: {  	v34 =	vadd.f32 v0, v1;
	[tilespmem:s29+$0xF000] =	vst v32  }
0x13a: {  	v0 =	vadd.f32 v0, v8;
	[tilespmem:s29+$0xF080] =	vst v33  }
0x13b: {  	v35 =	vadd.f32 v22, v4;
	[tilespmem:s29+$0xF100] =	vst v34  }
0x13c: {  	v23 =	vld [tilespmem:s29+$0x3180];
	v36 =	vadd.f32 v22, v6;
	[tilespmem:s29+$0xF180] =	vst v0  }
0x13d: {  	v37 =	vadd.f32 v22, v2;
	[tilespmem:s29+$0xF200] =	vst v35  }
0x13e: {  	v38 =	vadd.f32 v22, v5;
	[tilespmem:s29+$0xF280] =	vst v36  }
0x13f: {  	v39 =	vadd.f32 v22, v1;
	[tilespmem:s29+$0xF300] =	vst v37  }
0x140: {  	v40 =	vadd.f32 v22, v8;
	[tilespmem:s29+$0xF380] =	vst v38  }
0x141: {  	v41 =	vadd.f32 v23, v4;
	[tilespmem:s29+$0x10800] =	vst v39  }
0x142: {  	v24 =	vld [tilespmem:s29+$0x3200];
	v42 =	vadd.f32 v23, v6;
	[tilespmem:s29+$0x10880] =	vst v40  }
0x143: {  	v43 =	vadd.f32 v23, v2;
	[tilespmem:s29+$0x10900] =	vst v41  }
0x144: {  	v44 =	vadd.f32 v23, v5;
	[tilespmem:s29+$0x10980] =	vst v42  }
0x145: {  	v45 =	vadd.f32 v23, v1;
	[tilespmem:s29+$0x10A00] =	vst v43  }
0x146: {  	v46 =	vadd.f32 v23, v8;
	[tilespmem:s29+$0x10A80] =	vst v44  }
0x147: {  	v47 =	vadd.f32 v24, v4;
	[tilespmem:s29+$0x10B00] =	vst v45  }
0x148: {  	v25 =	vld [tilespmem:s29+$0x3280];
	v48 =	vadd.f32 v24, v6;
	[tilespmem:s29+$0x10B80] =	vst v46  }
0x149: {  	v49 =	vadd.f32 v24, v2;
	[tilespmem:s29+$0x12000] =	vst v47  }
0x14a: {  	v50 =	vadd.f32 v24, v5;
	[tilespmem:s29+$0x12080] =	vst v48  }
0x14b: {  	v51 =	vadd.f32 v24, v1;
	[tilespmem:s29+$0x12100] =	vst v49  }
0x14c: {  	v52 =	vadd.f32 v24, v8;
	[tilespmem:s29+$0x12180] =	vst v50  }
0x14d: {  	v53 =	vadd.f32 v25, v4;
	[tilespmem:s29+$0x12200] =	vst v51  }
0x14e: {  	v14 =	vld [tilespmem:s29+$0x3300];
	v54 =	vadd.f32 v25, v6;
	[tilespmem:s29+$0x12280] =	vst v52  }
0x14f: {  	v55 =	vadd.f32 v25, v2;
	[tilespmem:s29+$0x12300] =	vst v53  }
0x150: {  	v56 =	vadd.f32 v25, v5;
	[tilespmem:s29+$0x12380] =	vst v54  }
0x151: {  	v57 =	vadd.f32 v25, v1;
	[tilespmem:s29+$0x13800] =	vst v55  }
0x152: {  	v58 =	vadd.f32 v25, v8;
	[tilespmem:s29+$0x13880] =	vst v56  }
0x153: {  	v59 =	vadd.f32 v14, v4;
	[tilespmem:s29+$0x13900] =	vst v57  }
0x154: {  	v60 =	vadd.f32 v14, v6;
	[tilespmem:s29+$0x13980] =	vst v58  }
0x155: {  	s24 =	smul.u32 $0x6, s24;
	v61 =	vadd.f32 v14, v2;
	[tilespmem:s29+$0x13A00] =	vst v59  }
0x156: {  	v62 =	vadd.f32 v14, v5;
	[tilespmem:s29+$0x13A80] =	vst v60  }
.Ltmp4:
0x157: {  	s24 =	sshrl.u32 s24, $0x3;
	v1 =	vadd.f32 v14, v1;
	[tilespmem:s29+$0x13B00] =	vst v61;
	(pc) =	sbr.rel @p1 .LBB2_8-.Ltmp4, $4  }
0x158: {  	s24 =	smul.u32 $0x300, s24;
	v63 =	vadd.f32 v14, v8;
	[tilespmem:s29+$0x13B80] =	vst v62  }
0x159: {  	[tilespmem:s29+$0x15000] =	vst v1  }
0x15a: {  	s24 =	sadd.s32 s5, s24;
	[tilespmem:s29+$0x15080] =	vst v63  }
0x15b: {  	[hbm4b:s24+s6] =	stream.linear.scatter [tilespmem:s18], [sflag:$0x4], $0x9000, $0x38;
	[tilespmem:$0x16800] =	vst v63  }
.Ltmp5:
0x15c: {  	s23 =	sadd.s32 s23, s10;
	(pc) =	sbr.rel .LBB2_2-.Ltmp5, $3  }
0x15d: {  	s23 =	smul.u32 $0x300, s23;
	_ =	sdelay $0x1  }
0x15e: {  	s22 =	sadd.s32 $0x1, s22;
	s23 =	sadd.s32 s1, s23  }
0x15f: {  	[tilespmem:s13], [sflag:$0x2] =	stream.linear.gather [hbm4b:s23+s6], $0x1800, $0x38;
	[tilespmem:$0x16800] =	vst v63  }
.LBB2_9:
0x160: {  	_ =	sfence.sel $0x180000  }
0x161: {  	[bflag:$0x0] =	sbarrier.arrive $0xFFFF  }
0x162: {  	p0 =	sne.s32 s0, $0x0;
	_ =	strace $0x90000047  }
0x163: {  	s0 =	sadd.s32 @!p0 $0x100000, s2;
	[bflag:$0x2] =	sbarrier.arrive $0xFFFF  }
0x164: {  	[sflag:s0] =	ssyncadd.tile.s32 @!p0 $0x1;
	_ =	shalt  }
.Lfunc_end2:
_tile_overlayer_lowered:
.L_overlay_start_2:
0x165: {  	(tag) =	ssettag $0x2  }
0x166: {  	s0 =	rddreg [dreg:$0x0];
	s2 =	stileid.u32  }
0x167: {  	s1 =	rddreg [dreg:$0x1];
	p0 =	sne.s32 s2, $0x0  }
0x168: {  	s3 =	rddreg [dreg:$0x2];
	[bflag:$0x3] =	sbarrier.arrive $0xFFFF;
	s2 =	simm.s32 @!p0 $0x1C05  }
0x169: {  	[timem:s3], [sflag:s2] =	dma.local @!p0 [hbm:s0], s1  }
0x16a: {  	s0 =	simm.s32 @!p0 $0x5  }
0x16b: {  	_ =	swait.ge @!p0 [sflag:s0], s1  }
0x16c: {  	s1 =	ssub.s32 @!p0 $0x0, s1;
	[sflag:s0] =	ssyncset.done @!p0 $0x0  }
0x16d: {  	[sflag:s0] =	ssyncadd.s32 @!p0 s1  }
0x16e: {  	[bflag:$0x3] =	sbarrier.arrive $0xFFFF  }
0x16f: {  	_ =	shalt  }

</sc_bundles>
